<compile_context>
chip_gen: v7x
topology: tpu7x:2x2x1
jax: 0.10.2.dev20260603
libtpu: 0.0.44.dev20260713+nightly
codegen_flags: <defaults>
</compile_context>

<pallas_src>
import functools

import jax
import jax.numpy as jnp
from jax import lax
from jax.experimental import pallas as pl
from jax.experimental.pallas import tpu as pltpu
from jax.experimental.pallas import tpu_sc as plsc

N = 10000
E = 160000
L = 3
D = 128
H = 128

NC = 2
NS = 16
NW = NC * NS

E_PAD = 163840
BE = 1280
NBLK = E // BE
NBLK_PAD = E_PAD // BE

G_TOT = 491520
GCH = 128
G_PER_W = G_TOT // NW
G_NCH = G_PER_W // GCH
G_FIRE = 6
G_NBATCH = G_NCH // G_FIRE

SCH = 128
S_PER_W = E_PAD // NW
S_NCH = S_PER_W // SCH
N_PAD = 10240
ROWS_PER_TILE = N_PAD // NS
ND_ROWS = N_PAD // D


def _gather_body(feat, idx, out, idx_v, rows_v, sem, sem2):
    c = lax.axis_index("c")
    s = lax.axis_index("s")
    base = (s * NC + c) * G_PER_W

    pltpu.sync_copy(idx.at[pl.ds(base, G_PER_W)], idx_v)

    half = (G_FIRE // 2) * GCH

    def fire(boff, hb):
        cps = []
        for k in range(G_FIRE // 2):
            off = boff + k * GCH
            cps.append(pltpu.async_copy(
                feat.at[idx_v.at[pl.ds(off, GCH)]],
                rows_v.at[pl.ds(hb * half + k * GCH, GCH)], sem))
        return cps

    def wait_fire(boff, hb):
        for cp in fire(boff, hb):
            cp.wait()

    def wb(boff, hb, wsem):
        return pltpu.async_copy(rows_v.at[pl.ds(hb * half, half)],
                                out.at[pl.ds(base + boff, half)], wsem)

    wait_fire(0, 0)

    @pl.loop(0, 2 * G_NBATCH - 1)
    def _(j):
        boff = j * half
        hb = lax.rem(j, 2)
        w = wb(boff, hb, sem2)
        wait_fire(boff + half, 1 - hb)
        w.wait()

    last = (2 * G_NBATCH - 1) * half
    pltpu.sync_copy(rows_v.at[pl.ds(((2 * G_NBATCH - 1) % 2) * half, half)],
                    out.at[pl.ds(base + last, half)])


@functools.cache
def _get_gather():
    return pl.kernel(
        _gather_body,
        out_type=jax.ShapeDtypeStruct((G_TOT, D), jnp.float32),
        mesh=plsc.VectorSubcoreMesh(core_axis_name="c", subcore_axis_name="s",
                                    num_cores=NC, num_subcores=NS),
        scratch_types=[
            pltpu.VMEM((G_PER_W,), jnp.int32),
            pltpu.VMEM((G_FIRE * GCH, D), jnp.float32),
            pltpu.SemaphoreType.DMA,
            pltpu.SemaphoreType.DMA,
        ],
    )


def _gru_body(x0, x1, x2, dst, wih, whh, bih, bhh, attn, ft_o, dacc_o):
    pid = pl.program_id(0)
    valid = pid < NBLK
    w_i = wih[...]
    w_h = whh[...]
    bi = bih[...]
    bh = bhh[...]

    gi = jnp.dot(x0[...], w_i, preferred_element_type=jnp.float32) + bi
    r = jax.nn.sigmoid(gi[:, 0:H] + bh[:, 0:H])
    z = jax.nn.sigmoid(gi[:, H:2 * H] + bh[:, H:2 * H])
    n = jnp.tanh(gi[:, 2 * H:3 * H] + r * bh[:, 2 * H:3 * H])
    h = (1.0 - z) * n

    for x in (x1, x2):
        gi = jnp.dot(x[...], w_i, preferred_element_type=jnp.float32) + bi
        gh = jnp.dot(h, w_h, preferred_element_type=jnp.float32) + bh
        r = jax.nn.sigmoid(gi[:, 0:H] + gh[:, 0:H])
        z = jax.nn.sigmoid(gi[:, H:2 * H] + gh[:, H:2 * H])
        n = jnp.tanh(gi[:, 2 * H:3 * H] + r * gh[:, 2 * H:3 * H])
        h = (1.0 - z) * n + z * h

    av = jnp.sum(h * attn[...], axis=1, keepdims=True)
    av = jnp.where(av >= 0.0, av, 0.01 * av)
    ex = jnp.where(valid, jnp.exp(av), 0.0)

    ft_o[...] = jnp.where(valid, h * ex, 0.0)

    dv = dst[...]
    hi = dv // D
    lo = dv - hi * D
    a_mat = jnp.where(
        lax.broadcasted_iota(jnp.int32, (BE, ND_ROWS), 1) == hi, ex, 0.0)
    b_mat = jnp.where(
        lax.broadcasted_iota(jnp.int32, (BE, D), 1) == lo, 1.0, 0.0)
    contrib = jax.lax.dot_general(a_mat, b_mat, (((0,), (0,)), ((), ())),
                                  preferred_element_type=jnp.float32)

    @pl.when(pid == 0)
    def _():
        dacc_o[...] = jnp.zeros((ND_ROWS, D), jnp.float32)

    dacc_o[...] += contrib


def _run_gru(edata, dst2d, wih_t, whh_t, bih, bhh, attn_row):
    cap = NBLK - 1
    return pl.pallas_call(
        _gru_body,
        grid=(NBLK_PAD,),
        in_specs=[
            pl.BlockSpec((BE, D), lambda i: (jnp.minimum(i, cap), 0)),
            pl.BlockSpec((BE, D), lambda i: (jnp.minimum(i, cap) + NBLK, 0)),
            pl.BlockSpec((BE, D), lambda i: (jnp.minimum(i, cap) + 2 * NBLK, 0)),
            pl.BlockSpec((BE, 1), lambda i: (i, 0)),
            pl.BlockSpec((D, 3 * H), lambda i: (0, 0)),
            pl.BlockSpec((D, 3 * H), lambda i: (0, 0)),
            pl.BlockSpec((1, 3 * H), lambda i: (0, 0)),
            pl.BlockSpec((1, 3 * H), lambda i: (0, 0)),
            pl.BlockSpec((1, D), lambda i: (0, 0)),
        ],
        out_specs=[
            pl.BlockSpec((BE, D), lambda i: (i, 0)),
            pl.BlockSpec((ND_ROWS, D), lambda i: (0, 0)),
        ],
        out_shape=[
            jax.ShapeDtypeStruct((E_PAD, D), jnp.float32),
            jax.ShapeDtypeStruct((ND_ROWS, D), jnp.float32),
        ],
    )(edata, edata, edata, dst2d, wih_t, whh_t, bih, bhh, attn_row)


_K3_STAGE = 3


def _scatter_body(ft, dst, zs, s_out, hv, dv, ridx, s_sh):
    c = lax.axis_index("c")
    s = lax.axis_index("s")
    lane = lax.iota(jnp.int32, 16)

    def fill_ridx(row0):
        for g in range(SCH // 16):
            ridx[pl.ds(g * 16, 16)] = lane + (row0 + g * 16)

    pltpu.sync_copy(zs, hv)

    @pl.loop(0, ROWS_PER_TILE // SCH)
    def _(k):
        fill_ridx(s * ROWS_PER_TILE + k * SCH)
        pltpu.sync_copy(hv, s_sh.at[ridx])

    plsc.subcore_barrier()

    base = (s * NC + c) * S_PER_W

    @pl.loop(0, S_NCH)
    def _(i):
        off = base + i * SCH
        pltpu.sync_copy(ft.at[pl.ds(off, SCH)], hv)
        pltpu.sync_copy(dst.at[pl.ds(off, SCH)], dv)
        pltpu.sync_copy(hv, s_sh.at[dv], add=True)

    plsc.subcore_barrier()

    @pl.loop(0, ROWS_PER_TILE // SCH)
    def _(k):
        row0 = s * ROWS_PER_TILE + k * SCH
        fill_ridx(row0)
        pltpu.sync_copy(s_sh.at[ridx], hv)
        pltpu.sync_copy(hv, s_out.at[pl.ds(c * N_PAD + row0, SCH)])


@functools.cache
def _get_scatter():
    return pl.kernel(
        _scatter_body,
        out_type=jax.ShapeDtypeStruct((NC * N_PAD, D), jnp.float32),
        mesh=plsc.VectorSubcoreMesh(core_axis_name="c", subcore_axis_name="s",
                                    num_cores=NC, num_subcores=NS),
        scratch_types=[
            pltpu.VMEM((SCH, D), jnp.float32),
            pltpu.VMEM((SCH,), jnp.int32),
            pltpu.VMEM((SCH,), jnp.int32),
            pltpu.VMEM_SHARED((N_PAD, D), jnp.float32),
        ],
    )


def _norm_body(s2, dflat, out):
    sv = s2[...]
    ssum = sv[0] + sv[1]
    dsum = dflat[...]
    out[...] = jnp.where(dsum > 0.0, ssum / dsum, 0.0)


def _run_norm(s2, dflat):
    bn = 400
    return pl.pallas_call(
        _norm_body,
        grid=(N // bn,),
        in_specs=[
            pl.BlockSpec((NC, bn, D), lambda i: (0, i, 0)),
            pl.BlockSpec((bn, 1), lambda i: (i, 0)),
        ],
        out_specs=pl.BlockSpec((bn, D), lambda i: (i, 0)),
        out_shape=jax.ShapeDtypeStruct((N, D), jnp.float32),
    )(s2, dflat)


def kernel(features, edge_index, edge_metapath_indices, W_ih, W_hh, b_ih,
           b_hh, attn):
    idx_flat = jnp.pad(edge_metapath_indices.T.reshape(-1),
                       (0, G_TOT - L * E))
    dst_pad = jnp.pad(edge_index[1], (0, E_PAD - E))
    wih_t = W_ih.T
    whh_t = W_hh.T
    bih = b_ih.reshape(1, 3 * H)
    bhh = b_hh.reshape(1, 3 * H)
    attn_row = attn.reshape(1, D)

    edata = _get_gather()(features, idx_flat)
    ft, dacc = _run_gru(edata, dst_pad.reshape(E_PAD, 1), wih_t, whh_t,
                        bih, bhh, attn_row)
    zs = jnp.zeros((SCH, D), jnp.float32)
    s2 = _get_scatter()(ft, dst_pad, zs)
    out = _run_norm(s2.reshape(NC, N_PAD, D), dacc.reshape(N_PAD, 1))
    return out.reshape(N, 1, D)

# --- scband reference (transcript-rebuilt; emitter-appended) ---
"""Pipeline reference for scband-graph-layer-25640954757821 (READ-ONLY COPY).

The authoritative reference and input builder live on the scoring server;
editing this copy changes nothing except your own understanding.
"""

import jax, jax.numpy as jnp
import numpy as np

N = 10000
E = 160000
L = 3
OUT_DIM = 128
NUM_HEADS = 1
H = NUM_HEADS * OUT_DIM
ALPHA = 0.01


def setup_inputs(seed: int = 0) -> dict:
    key = jax.random.key(seed)
    ks = jax.random.split(key, 8)
    features = jax.random.normal(ks[0], (N, OUT_DIM), dtype=jnp.float32)
    edge_index = jax.random.randint(ks[1], (2, E), 0, N, dtype=jnp.int32)
    edge_metapath_indices = jax.random.randint(ks[2], (E, L), 0, N, dtype=jnp.int32)
    # GRU parameters (PyTorch nn.GRU layout: gates ordered r, z, n)
    W_ih = jax.random.normal(ks[3], (3 * H, OUT_DIM), dtype=jnp.float32) * 0.05
    W_hh = jax.random.normal(ks[4], (3 * H, H), dtype=jnp.float32) * 0.05
    b_ih = jnp.zeros((3 * H,), dtype=jnp.float32)
    b_hh = jnp.zeros((3 * H,), dtype=jnp.float32)
    attn = jax.random.normal(ks[5], (1, NUM_HEADS, OUT_DIM), dtype=jnp.float32) * 0.1
    return {
        "features": features,
        "edge_index": edge_index,
        "edge_metapath_indices": edge_metapath_indices,
        "W_ih": W_ih,
        "W_hh": W_hh,
        "b_ih": b_ih,
        "b_hh": b_hh,
        "attn": attn,
    }


def _gru_last_hidden(edata, W_ih, W_hh, b_ih, b_hh):
    # edata: [E, L, d] -> torch permutes to [L, E, d] and runs nn.GRU; we take final hidden
    x_seq = jnp.transpose(edata, (1, 0, 2))  # [L, E, d]
    h0 = jnp.zeros((edata.shape[0], H), dtype=edata.dtype)

    def step(h, x):
        gi = x @ W_ih.T + b_ih
        gh = h @ W_hh.T + b_hh
        i_r, i_z, i_n = jnp.split(gi, 3, axis=-1)
        h_r, h_z, h_n = jnp.split(gh, 3, axis=-1)
        r = jax.nn.sigmoid(i_r + h_r)
        z = jax.nn.sigmoid(i_z + h_z)
        n = jnp.tanh(i_n + r * h_n)
        h_new = (1.0 - z) * n + z * h
        return h_new, None

    h_final, _ = jax.lax.scan(step, h0, x_seq)
    return h_final  # [E, H]


def reference(features, edge_index, edge_metapath_indices, W_ih, W_hh, b_ih, b_hh, attn):
    # edata = F.embedding(edge_metapath_indices, features) -> gather
    edata = jnp.take(features, edge_metapath_indices, axis=0)  # [E, L, out_dim]
    hidden = _gru_last_hidden(edata, W_ih, W_hh, b_ih, b_hh)  # [E, H]
    eft = hidden.reshape(-1, NUM_HEADS, OUT_DIM)  # [E, nh, out_dim]
    # attn_switch=False branch
    a = jnp.sum(eft * attn, axis=-1)[..., None]  # [E, nh, 1]
    a = jnp.where(a >= 0, a, ALPHA * a)  # LeakyReLU(alpha)
    dst = edge_index[1]
    # DGL edge_softmax over incoming edges of each dst node (numerically stabilized)
    a_max = jax.ops.segment_max(a, dst, num_segments=N)
    a_max = jnp.where(jnp.isfinite(a_max), a_max, 0.0)  # empty segments -> 0
    ex = jnp.exp(a - a_max[dst])
    denom = jax.ops.segment_sum(ex, dst, num_segments=N)
    attention = ex / denom[dst]  # attn_drop=0.0 => identity dropout
    # message passing: ft = eft * a_drop, then sum over edges per dst node
    ft = eft * attention  # [E, nh, out_dim]
    ret = jax.ops.segment_sum(ft, dst, num_segments=N)  # [N, nh, out_dim]
    return ret

if __name__ == "__main__":
    import jax
    _d = setup_inputs()
    print(jax.jit(kernel)(*tuple(_d.values())))

</pallas_src>

<mosaic_0001>
#map = affine_map<(d0, d1) -> (0, 0)>
#map1 = affine_map<(d0, d1) -> (0)>
module attributes {stable_mosaic.version = 14 : i64} {
  func.func @_scatter_body(%arg0: i32, %arg1: i32, %arg2: memref<163840x128xf32, #tpu.memory_space<hbm>>, %arg3: memref<163840xi32, #tpu.memory_space<hbm>>, %arg4: memref<128x128xf32, #tpu.memory_space<hbm>>, %arg5: memref<20480x128xf32, #tpu.memory_space<hbm>>, %arg6: memref<128x128xf32, #tpu.memory_space<vmem>>, %arg7: memref<128xi32, #tpu.memory_space<vmem>>, %arg8: memref<128xi32, #tpu.memory_space<vmem>>, %arg9: memref<10240x128xf32, #tpu.memory_space<vmem_shared>>) attributes {dimension_semantics = [#tpu.dimension_semantics<core_parallel>, #tpu.dimension_semantics<subcore_parallel>], iteration_bounds = array<i64: 2, 16>, scalar_prefetch = 0 : i64, scratch_operands = 4 : i64, tpu.core_type = #tpu.core_type<sc_vector_subcore>, window_params = [{transform_indices = #map}, {transform_indices = #map1}, {transform_indices = #map}, {transform_indices = #map}]} {
    %iota3A = tpu.iota {dimensions = array<i32: 0>} : vector<16xi32>
    "tpu.region"() ({
      %run_scoped3A = tpu.sem_alloc : memref<!tpu.dma_semaphore, #tpu.memory_space<semaphore_mem>>
      tpu.enqueue_dma source(%arg4 : memref<128x128xf32, #tpu.memory_space<hbm>>) target(%arg6 : memref<128x128xf32, #tpu.memory_space<vmem>>) target_semaphore(%run_scoped3A : memref<!tpu.dma_semaphore, #tpu.memory_space<semaphore_mem>>)
      tpu.wait_dma2 semaphore(%run_scoped3A : memref<!tpu.dma_semaphore, #tpu.memory_space<semaphore_mem>>) src(%arg4 : memref<128x128xf32, #tpu.memory_space<hbm>>) dst(%arg6 : memref<128x128xf32, #tpu.memory_space<vmem>>)
      tpu.yield
    }) : () -> ()
    %scan3A = arith.constant 0 : i32
    %scan3A_0 = arith.constant 5 : i32
    %scan3A_1 = arith.addi %scan3A, %scan3A_0 : i32
    %scan3A_2 = arith.constant 1 : i32
    scf.for %scan3A_18 = %scan3A to %scan3A_1 step %scan3A_2  : i32 {
      %mul3A_19 = arith.constant 1 : i32
      %mul3A_20 = arith.muli %scan3A_18, %mul3A_19 : i32
      %add3A_21 = arith.constant 0 : i32
      %add3A_22 = arith.addi %add3A_21, %mul3A_20 : i32
      %mul3A_23 = arith.constant 640 : i32
      %mul3A_24 = arith.muli %arg1, %mul3A_23 : i32
      %mul3A_25 = arith.constant 128 : i32
      %mul3A_26 = arith.muli %add3A_22, %mul3A_25 : i32
      %add3A_27 = arith.addi %mul3A_24, %mul3A_26 : i32
      %add3A_28 = arith.constant 0 : i32
      %add3A_29 = arith.addi %add3A_27, %add3A_28 : i32
      %add3A_30 = vector.broadcast %add3A_29 : i32 to vector<16xi32>
      %add3A_31 = arith.addi %iota3A, %add3A_30 : vector<16xi32>
      %swap3A = arith.constant 0 : index
      %swap3A_32 = tpu.vector_load %arg8[%swap3A] {strides = array<i32>} : memref<128xi32, #tpu.memory_space<vmem>>, vector<16xi32>,
      %swap3A_33 = vector.shape_cast %swap3A_32 : vector<16xi32> to vector<16xi32>
      %swap3A_34 = vector.shape_cast %add3A_31 : vector<16xi32> to vector<16xi32>
      tpu.vector_store %arg8[%swap3A], %swap3A_34 {strides = array<i32>} : memref<128xi32, #tpu.memory_space<vmem>>, vector<16xi32>,
      %add3A_35 = arith.constant 16 : i32
      %add3A_36 = arith.addi %add3A_27, %add3A_35 : i32
      %add3A_37 = vector.broadcast %add3A_36 : i32 to vector<16xi32>
      %add3A_38 = arith.addi %iota3A, %add3A_37 : vector<16xi32>
      %swap3A_39 = arith.constant 16 : index
      %swap3A_40 = tpu.vector_load %arg8[%swap3A_39] {strides = array<i32>} : memref<128xi32, #tpu.memory_space<vmem>>, vector<16xi32>,
      %swap3A_41 = vector.shape_cast %swap3A_40 : vector<16xi32> to vector<16xi32>
      %swap3A_42 = vector.shape_cast %add3A_38 : vector<16xi32> to vector<16xi32>
      tpu.vector_store %arg8[%swap3A_39], %swap3A_42 {strides = array<i32>} : memref<128xi32, #tpu.memory_space<vmem>>, vector<16xi32>,
      %add3A_43 = arith.constant 32 : i32
      %add3A_44 = arith.addi %add3A_27, %add3A_43 : i32
      %add3A_45 = vector.broadcast %add3A_44 : i32 to vector<16xi32>
      %add3A_46 = arith.addi %iota3A, %add3A_45 : vector<16xi32>
      %swap3A_47 = arith.constant 32 : index
      %swap3A_48 = tpu.vector_load %arg8[%swap3A_47] {strides = array<i32>} : memref<128xi32, #tpu.memory_space<vmem>>, vector<16xi32>,
      %swap3A_49 = vector.shape_cast %swap3A_48 : vector<16xi32> to vector<16xi32>
      %swap3A_50 = vector.shape_cast %add3A_46 : vector<16xi32> to vector<16xi32>
      tpu.vector_store %arg8[%swap3A_47], %swap3A_50 {strides = array<i32>} : memref<128xi32, #tpu.memory_space<vmem>>, vector<16xi32>,
      %add3A_51 = arith.constant 48 : i32
      %add3A_52 = arith.addi %add3A_27, %add3A_51 : i32
      %add3A_53 = vector.broadcast %add3A_52 : i32 to vector<16xi32>
      %add3A_54 = arith.addi %iota3A, %add3A_53 : vector<16xi32>
      %swap3A_55 = arith.constant 48 : index
      %swap3A_56 = tpu.vector_load %arg8[%swap3A_55] {strides = array<i32>} : memref<128xi32, #tpu.memory_space<vmem>>, vector<16xi32>,
      %swap3A_57 = vector.shape_cast %swap3A_56 : vector<16xi32> to vector<16xi32>
      %swap3A_58 = vector.shape_cast %add3A_54 : vector<16xi32> to vector<16xi32>
      tpu.vector_store %arg8[%swap3A_55], %swap3A_58 {strides = array<i32>} : memref<128xi32, #tpu.memory_space<vmem>>, vector<16xi32>,
      %add3A_59 = arith.constant 64 : i32
      %add3A_60 = arith.addi %add3A_27, %add3A_59 : i32
      %add3A_61 = vector.broadcast %add3A_60 : i32 to vector<16xi32>
      %add3A_62 = arith.addi %iota3A, %add3A_61 : vector<16xi32>
      %swap3A_63 = arith.constant 64 : index
      %swap3A_64 = tpu.vector_load %arg8[%swap3A_63] {strides = array<i32>} : memref<128xi32, #tpu.memory_space<vmem>>, vector<16xi32>,
      %swap3A_65 = vector.shape_cast %swap3A_64 : vector<16xi32> to vector<16xi32>
      %swap3A_66 = vector.shape_cast %add3A_62 : vector<16xi32> to vector<16xi32>
      tpu.vector_store %arg8[%swap3A_63], %swap3A_66 {strides = array<i32>} : memref<128xi32, #tpu.memory_space<vmem>>, vector<16xi32>,
      %add3A_67 = arith.constant 80 : i32
      %add3A_68 = arith.addi %add3A_27, %add3A_67 : i32
      %add3A_69 = vector.broadcast %add3A_68 : i32 to vector<16xi32>
      %add3A_70 = arith.addi %iota3A, %add3A_69 : vector<16xi32>
      %swap3A_71 = arith.constant 80 : index
      %swap3A_72 = tpu.vector_load %arg8[%swap3A_71] {strides = array<i32>} : memref<128xi32, #tpu.memory_space<vmem>>, vector<16xi32>,
      %swap3A_73 = vector.shape_cast %swap3A_72 : vector<16xi32> to vector<16xi32>
      %swap3A_74 = vector.shape_cast %add3A_70 : vector<16xi32> to vector<16xi32>
      tpu.vector_store %arg8[%swap3A_71], %swap3A_74 {strides = array<i32>} : memref<128xi32, #tpu.memory_space<vmem>>, vector<16xi32>,
      %add3A_75 = arith.constant 96 : i32
      %add3A_76 = arith.addi %add3A_27, %add3A_75 : i32
      %add3A_77 = vector.broadcast %add3A_76 : i32 to vector<16xi32>
      %add3A_78 = arith.addi %iota3A, %add3A_77 : vector<16xi32>
      %swap3A_79 = arith.constant 96 : index
      %swap3A_80 = tpu.vector_load %arg8[%swap3A_79] {strides = array<i32>} : memref<128xi32, #tpu.memory_space<vmem>>, vector<16xi32>,
      %swap3A_81 = vector.shape_cast %swap3A_80 : vector<16xi32> to vector<16xi32>
      %swap3A_82 = vector.shape_cast %add3A_78 : vector<16xi32> to vector<16xi32>
      tpu.vector_store %arg8[%swap3A_79], %swap3A_82 {strides = array<i32>} : memref<128xi32, #tpu.memory_space<vmem>>, vector<16xi32>,
      %add3A_83 = arith.constant 112 : i32
      %add3A_84 = arith.addi %add3A_27, %add3A_83 : i32
      %add3A_85 = vector.broadcast %add3A_84 : i32 to vector<16xi32>
      %add3A_86 = arith.addi %iota3A, %add3A_85 : vector<16xi32>
      %swap3A_87 = arith.constant 112 : index
      %swap3A_88 = tpu.vector_load %arg8[%swap3A_87] {strides = array<i32>} : memref<128xi32, #tpu.memory_space<vmem>>, vector<16xi32>,
      %swap3A_89 = vector.shape_cast %swap3A_88 : vector<16xi32> to vector<16xi32>
      %swap3A_90 = vector.shape_cast %add3A_86 : vector<16xi32> to vector<16xi32>
      tpu.vector_store %arg8[%swap3A_87], %swap3A_90 {strides = array<i32>} : memref<128xi32, #tpu.memory_space<vmem>>, vector<16xi32>,
      "tpu.region"() ({
        %run_scoped3A = tpu.sem_alloc : memref<!tpu.dma_semaphore, #tpu.memory_space<semaphore_mem>>
        %dma_start3A = arith.constant 0 : i32
        %dma_start3A_91 = arith.constant 0 : i32
        %dma_start3A_92 = tpu.memref_slice %arg9[%dma_start3A, %dma_start3A_91] : memref<10240x128xf32, #tpu.memory_space<vmem_shared>> -> memref<10240x128xf32, #tpu.memory_space<vmem_shared>>
        tpu.enqueue_indirect_dma source(%arg6 : memref<128x128xf32, #tpu.memory_space<vmem>>) target(%dma_start3A_92 : memref<10240x128xf32, #tpu.memory_space<vmem_shared>>) offsets(%arg8 : memref<128xi32, #tpu.memory_space<vmem>>) semaphore(%run_scoped3A : memref<!tpu.dma_semaphore, #tpu.memory_space<semaphore_mem>>)
        %dma_wait3A = arith.constant 0 : i32
        %dma_wait3A_93 = arith.constant 0 : i32
        %dma_wait3A_94 = tpu.memref_slice %arg9[%dma_wait3A, %dma_wait3A_93] : memref<10240x128xf32, #tpu.memory_space<vmem_shared>> -> memref<10240x128xf32, #tpu.memory_space<vmem_shared>>
        tpu.wait_indirect_dma semaphore(%run_scoped3A : memref<!tpu.dma_semaphore, #tpu.memory_space<semaphore_mem>>) src(%arg6 : memref<128x128xf32, #tpu.memory_space<vmem>>) dst(%dma_wait3A_94 : memref<10240x128xf32, #tpu.memory_space<vmem_shared>>)
        tpu.yield
      }) : () -> ()
    }
    %scan3A_3 = arith.constant 5 : i32
    %barrier3A = arith.constant 0 : index
    tpu.barrier barrier_id(%barrier3A)
    %mul3A = arith.constant 2 : i32
    %mul3A_4 = arith.muli %arg1, %mul3A : i32
    %add3A = arith.addi %mul3A_4, %arg0 : i32
    %mul3A_5 = arith.constant 5120 : i32
    %mul3A_6 = arith.muli %add3A, %mul3A_5 : i32
    %scan3A_7 = arith.constant 0 : i32
    %scan3A_8 = arith.constant 40 : i32
    %scan3A_9 = arith.addi %scan3A_7, %scan3A_8 : i32
    %scan3A_10 = arith.constant 1 : i32
    scf.for %scan3A_18 = %scan3A_7 to %scan3A_9 step %scan3A_10  : i32 {
      %mul3A_19 = arith.constant 1 : i32
      %mul3A_20 = arith.muli %scan3A_18, %mul3A_19 : i32
      %add3A_21 = arith.constant 0 : i32
      %add3A_22 = arith.addi %add3A_21, %mul3A_20 : i32
      %mul3A_23 = arith.constant 128 : i32
      %mul3A_24 = arith.muli %add3A_22, %mul3A_23 : i32
      %add3A_25 = arith.addi %mul3A_6, %mul3A_24 : i32
      "tpu.region"() ({
        %run_scoped3A = tpu.sem_alloc : memref<!tpu.dma_semaphore, #tpu.memory_space<semaphore_mem>>
        %dma_start3A = arith.constant 0 : i32
        %dma_start3A_26 = tpu.memref_slice %arg2[%add3A_25, %dma_start3A] : memref<163840x128xf32, #tpu.memory_space<hbm>> -> memref<128x128xf32, #tpu.memory_space<hbm>>
        %dma_start3A_27 = arith.constant 0 : i32
        %dma_start3A_28 = tpu.memref_slice %arg2[%add3A_25, %dma_start3A_27] : memref<163840x128xf32, #tpu.memory_space<hbm>> -> memref<128x128xf32, #tpu.memory_space<hbm>>
        tpu.enqueue_dma source(%dma_start3A_28 : memref<128x128xf32, #tpu.memory_space<hbm>>) target(%arg6 : memref<128x128xf32, #tpu.memory_space<vmem>>) target_semaphore(%run_scoped3A : memref<!tpu.dma_semaphore, #tpu.memory_space<semaphore_mem>>)
        %dma_wait3A = arith.constant 0 : i32
        %dma_wait3A_29 = tpu.memref_slice %arg2[%add3A_25, %dma_wait3A] : memref<163840x128xf32, #tpu.memory_space<hbm>> -> memref<128x128xf32, #tpu.memory_space<hbm>>
        %dma_wait3A_30 = arith.constant 0 : i32
        %dma_wait3A_31 = tpu.memref_slice %arg2[%add3A_25, %dma_wait3A_30] : memref<163840x128xf32, #tpu.memory_space<hbm>> -> memref<128x128xf32, #tpu.memory_space<hbm>>
        tpu.wait_dma2 semaphore(%run_scoped3A : memref<!tpu.dma_semaphore, #tpu.memory_space<semaphore_mem>>) src(%dma_wait3A_31 : memref<128x128xf32, #tpu.memory_space<hbm>>) dst(%arg6 : memref<128x128xf32, #tpu.memory_space<vmem>>)
        tpu.yield
      }) : () -> ()
      "tpu.region"() ({
        %run_scoped3A = tpu.sem_alloc : memref<!tpu.dma_semaphore, #tpu.memory_space<semaphore_mem>>
        %dma_start3A = tpu.memref_slice %arg3[%add3A_25] : memref<163840xi32, #tpu.memory_space<hbm>> -> memref<128xi32, #tpu.memory_space<hbm>>
        %dma_start3A_26 = tpu.memref_slice %arg3[%add3A_25] : memref<163840xi32, #tpu.memory_space<hbm>> -> memref<128xi32, #tpu.memory_space<hbm>>
        tpu.enqueue_dma source(%dma_start3A_26 : memref<128xi32, #tpu.memory_space<hbm>>) target(%arg7 : memref<128xi32, #tpu.memory_space<vmem>>) target_semaphore(%run_scoped3A : memref<!tpu.dma_semaphore, #tpu.memory_space<semaphore_mem>>)
        %dma_wait3A = tpu.memref_slice %arg3[%add3A_25] : memref<163840xi32, #tpu.memory_space<hbm>> -> memref<128xi32, #tpu.memory_space<hbm>>
        %dma_wait3A_27 = tpu.memref_slice %arg3[%add3A_25] : memref<163840xi32, #tpu.memory_space<hbm>> -> memref<128xi32, #tpu.memory_space<hbm>>
        tpu.wait_dma2 semaphore(%run_scoped3A : memref<!tpu.dma_semaphore, #tpu.memory_space<semaphore_mem>>) src(%dma_wait3A_27 : memref<128xi32, #tpu.memory_space<hbm>>) dst(%arg7 : memref<128xi32, #tpu.memory_space<vmem>>)
        tpu.yield
      }) : () -> ()
      "tpu.region"() ({
        %run_scoped3A = tpu.sem_alloc : memref<!tpu.dma_semaphore, #tpu.memory_space<semaphore_mem>>
        %dma_start3A = arith.constant 0 : i32
        %dma_start3A_26 = arith.constant 0 : i32
        %dma_start3A_27 = tpu.memref_slice %arg9[%dma_start3A, %dma_start3A_26] : memref<10240x128xf32, #tpu.memory_space<vmem_shared>> -> memref<10240x128xf32, #tpu.memory_space<vmem_shared>>
        tpu.enqueue_indirect_dma source(%arg6 : memref<128x128xf32, #tpu.memory_space<vmem>>) target(%dma_start3A_27 : memref<10240x128xf32, #tpu.memory_space<vmem_shared>>) offsets(%arg7 : memref<128xi32, #tpu.memory_space<vmem>>) semaphore(%run_scoped3A : memref<!tpu.dma_semaphore, #tpu.memory_space<semaphore_mem>>) {add = true}
        %dma_wait3A = arith.constant 0 : i32
        %dma_wait3A_28 = arith.constant 0 : i32
        %dma_wait3A_29 = tpu.memref_slice %arg9[%dma_wait3A, %dma_wait3A_28] : memref<10240x128xf32, #tpu.memory_space<vmem_shared>> -> memref<10240x128xf32, #tpu.memory_space<vmem_shared>>
        tpu.wait_indirect_dma semaphore(%run_scoped3A : memref<!tpu.dma_semaphore, #tpu.memory_space<semaphore_mem>>) src(%arg6 : memref<128x128xf32, #tpu.memory_space<vmem>>) dst(%dma_wait3A_29 : memref<10240x128xf32, #tpu.memory_space<vmem_shared>>)
        tpu.yield
      }) : () -> ()
    }
    %scan3A_11 = arith.constant 40 : i32
    %barrier3A_12 = arith.constant 0 : index
    tpu.barrier barrier_id(%barrier3A_12)
    %scan3A_13 = arith.constant 0 : i32
    %scan3A_14 = arith.constant 5 : i32
    %scan3A_15 = arith.addi %scan3A_13, %scan3A_14 : i32
    %scan3A_16 = arith.constant 1 : i32
    scf.for %scan3A_18 = %scan3A_13 to %scan3A_15 step %scan3A_16  : i32 {
      %mul3A_19 = arith.constant 1 : i32
      %mul3A_20 = arith.muli %scan3A_18, %mul3A_19 : i32
      %add3A_21 = arith.constant 0 : i32
      %add3A_22 = arith.addi %add3A_21, %mul3A_20 : i32
      %mul3A_23 = arith.constant 640 : i32
      %mul3A_24 = arith.muli %arg1, %mul3A_23 : i32
      %mul3A_25 = arith.constant 128 : i32
      %mul3A_26 = arith.muli %add3A_22, %mul3A_25 : i32
      %add3A_27 = arith.addi %mul3A_24, %mul3A_26 : i32
      %add3A_28 = arith.constant 0 : i32
      %add3A_29 = arith.addi %add3A_27, %add3A_28 : i32
      %add3A_30 = vector.broadcast %add3A_29 : i32 to vector<16xi32>
      %add3A_31 = arith.addi %iota3A, %add3A_30 : vector<16xi32>
      %swap3A = arith.constant 0 : index
      %swap3A_32 = tpu.vector_load %arg8[%swap3A] {strides = array<i32>} : memref<128xi32, #tpu.memory_space<vmem>>, vector<16xi32>,
      %swap3A_33 = vector.shape_cast %swap3A_32 : vector<16xi32> to vector<16xi32>
      %swap3A_34 = vector.shape_cast %add3A_31 : vector<16xi32> to vector<16xi32>
      tpu.vector_store %arg8[%swap3A], %swap3A_34 {strides = array<i32>} : memref<128xi32, #tpu.memory_space<vmem>>, vector<16xi32>,
      %add3A_35 = arith.constant 16 : i32
      %add3A_36 = arith.addi %add3A_27, %add3A_35 : i32
      %add3A_37 = vector.broadcast %add3A_36 : i32 to vector<16xi32>
      %add3A_38 = arith.addi %iota3A, %add3A_37 : vector<16xi32>
      %swap3A_39 = arith.constant 16 : index
      %swap3A_40 = tpu.vector_load %arg8[%swap3A_39] {strides = array<i32>} : memref<128xi32, #tpu.memory_space<vmem>>, vector<16xi32>,
      %swap3A_41 = vector.shape_cast %swap3A_40 : vector<16xi32> to vector<16xi32>
      %swap3A_42 = vector.shape_cast %add3A_38 : vector<16xi32> to vector<16xi32>
      tpu.vector_store %arg8[%swap3A_39], %swap3A_42 {strides = array<i32>} : memref<128xi32, #tpu.memory_space<vmem>>, vector<16xi32>,
      %add3A_43 = arith.constant 32 : i32
      %add3A_44 = arith.addi %add3A_27, %add3A_43 : i32
      %add3A_45 = vector.broadcast %add3A_44 : i32 to vector<16xi32>
      %add3A_46 = arith.addi %iota3A, %add3A_45 : vector<16xi32>
      %swap3A_47 = arith.constant 32 : index
      %swap3A_48 = tpu.vector_load %arg8[%swap3A_47] {strides = array<i32>} : memref<128xi32, #tpu.memory_space<vmem>>, vector<16xi32>,
      %swap3A_49 = vector.shape_cast %swap3A_48 : vector<16xi32> to vector<16xi32>
      %swap3A_50 = vector.shape_cast %add3A_46 : vector<16xi32> to vector<16xi32>
      tpu.vector_store %arg8[%swap3A_47], %swap3A_50 {strides = array<i32>} : memref<128xi32, #tpu.memory_space<vmem>>, vector<16xi32>,
      %add3A_51 = arith.constant 48 : i32
      %add3A_52 = arith.addi %add3A_27, %add3A_51 : i32
      %add3A_53 = vector.broadcast %add3A_52 : i32 to vector<16xi32>
      %add3A_54 = arith.addi %iota3A, %add3A_53 : vector<16xi32>
      %swap3A_55 = arith.constant 48 : index
      %swap3A_56 = tpu.vector_load %arg8[%swap3A_55] {strides = array<i32>} : memref<128xi32, #tpu.memory_space<vmem>>, vector<16xi32>,
      %swap3A_57 = vector.shape_cast %swap3A_56 : vector<16xi32> to vector<16xi32>
      %swap3A_58 = vector.shape_cast %add3A_54 : vector<16xi32> to vector<16xi32>
      tpu.vector_store %arg8[%swap3A_55], %swap3A_58 {strides = array<i32>} : memref<128xi32, #tpu.memory_space<vmem>>, vector<16xi32>,
      %add3A_59 = arith.constant 64 : i32
      %add3A_60 = arith.addi %add3A_27, %add3A_59 : i32
      %add3A_61 = vector.broadcast %add3A_60 : i32 to vector<16xi32>
      %add3A_62 = arith.addi %iota3A, %add3A_61 : vector<16xi32>
      %swap3A_63 = arith.constant 64 : index
      %swap3A_64 = tpu.vector_load %arg8[%swap3A_63] {strides = array<i32>} : memref<128xi32, #tpu.memory_space<vmem>>, vector<16xi32>,
      %swap3A_65 = vector.shape_cast %swap3A_64 : vector<16xi32> to vector<16xi32>
      %swap3A_66 = vector.shape_cast %add3A_62 : vector<16xi32> to vector<16xi32>
      tpu.vector_store %arg8[%swap3A_63], %swap3A_66 {strides = array<i32>} : memref<128xi32, #tpu.memory_space<vmem>>, vector<16xi32>,
      %add3A_67 = arith.constant 80 : i32
      %add3A_68 = arith.addi %add3A_27, %add3A_67 : i32
      %add3A_69 = vector.broadcast %add3A_68 : i32 to vector<16xi32>
      %add3A_70 = arith.addi %iota3A, %add3A_69 : vector<16xi32>
      %swap3A_71 = arith.constant 80 : index
      %swap3A_72 = tpu.vector_load %arg8[%swap3A_71] {strides = array<i32>} : memref<128xi32, #tpu.memory_space<vmem>>, vector<16xi32>,
      %swap3A_73 = vector.shape_cast %swap3A_72 : vector<16xi32> to vector<16xi32>
      %swap3A_74 = vector.shape_cast %add3A_70 : vector<16xi32> to vector<16xi32>
      tpu.vector_store %arg8[%swap3A_71], %swap3A_74 {strides = array<i32>} : memref<128xi32, #tpu.memory_space<vmem>>, vector<16xi32>,
      %add3A_75 = arith.constant 96 : i32
      %add3A_76 = arith.addi %add3A_27, %add3A_75 : i32
      %add3A_77 = vector.broadcast %add3A_76 : i32 to vector<16xi32>
      %add3A_78 = arith.addi %iota3A, %add3A_77 : vector<16xi32>
      %swap3A_79 = arith.constant 96 : index
      %swap3A_80 = tpu.vector_load %arg8[%swap3A_79] {strides = array<i32>} : memref<128xi32, #tpu.memory_space<vmem>>, vector<16xi32>,
      %swap3A_81 = vector.shape_cast %swap3A_80 : vector<16xi32> to vector<16xi32>
      %swap3A_82 = vector.shape_cast %add3A_78 : vector<16xi32> to vector<16xi32>
      tpu.vector_store %arg8[%swap3A_79], %swap3A_82 {strides = array<i32>} : memref<128xi32, #tpu.memory_space<vmem>>, vector<16xi32>,
      %add3A_83 = arith.constant 112 : i32
      %add3A_84 = arith.addi %add3A_27, %add3A_83 : i32
      %add3A_85 = vector.broadcast %add3A_84 : i32 to vector<16xi32>
      %add3A_86 = arith.addi %iota3A, %add3A_85 : vector<16xi32>
      %swap3A_87 = arith.constant 112 : index
      %swap3A_88 = tpu.vector_load %arg8[%swap3A_87] {strides = array<i32>} : memref<128xi32, #tpu.memory_space<vmem>>, vector<16xi32>,
      %swap3A_89 = vector.shape_cast %swap3A_88 : vector<16xi32> to vector<16xi32>
      %swap3A_90 = vector.shape_cast %add3A_86 : vector<16xi32> to vector<16xi32>
      tpu.vector_store %arg8[%swap3A_87], %swap3A_90 {strides = array<i32>} : memref<128xi32, #tpu.memory_space<vmem>>, vector<16xi32>,
      "tpu.region"() ({
        %run_scoped3A = tpu.sem_alloc : memref<!tpu.dma_semaphore, #tpu.memory_space<semaphore_mem>>
        %dma_start3A = arith.constant 0 : i32
        %dma_start3A_94 = arith.constant 0 : i32
        %dma_start3A_95 = tpu.memref_slice %arg9[%dma_start3A, %dma_start3A_94] : memref<10240x128xf32, #tpu.memory_space<vmem_shared>> -> memref<10240x128xf32, #tpu.memory_space<vmem_shared>>
        tpu.enqueue_indirect_dma source(%dma_start3A_95 : memref<10240x128xf32, #tpu.memory_space<vmem_shared>>) target(%arg6 : memref<128x128xf32, #tpu.memory_space<vmem>>) offsets(%arg8 : memref<128xi32, #tpu.memory_space<vmem>>) semaphore(%run_scoped3A : memref<!tpu.dma_semaphore, #tpu.memory_space<semaphore_mem>>)
        %dma_wait3A = arith.constant 0 : i32
        %dma_wait3A_96 = arith.constant 0 : i32
        %dma_wait3A_97 = tpu.memref_slice %arg9[%dma_wait3A, %dma_wait3A_96] : memref<10240x128xf32, #tpu.memory_space<vmem_shared>> -> memref<10240x128xf32, #tpu.memory_space<vmem_shared>>
        tpu.wait_indirect_dma semaphore(%run_scoped3A : memref<!tpu.dma_semaphore, #tpu.memory_space<semaphore_mem>>) src(%dma_wait3A_97 : memref<10240x128xf32, #tpu.memory_space<vmem_shared>>) dst(%arg6 : memref<128x128xf32, #tpu.memory_space<vmem>>)
        tpu.yield
      }) : () -> ()
      %mul3A_91 = arith.constant 10240 : i32
      %mul3A_92 = arith.muli %arg0, %mul3A_91 : i32
      %add3A_93 = arith.addi %mul3A_92, %add3A_27 : i32
      "tpu.region"() ({
        %run_scoped3A = tpu.sem_alloc : memref<!tpu.dma_semaphore, #tpu.memory_space<semaphore_mem>>
        %dma_start3A = arith.constant 0 : i32
        %dma_start3A_94 = tpu.memref_slice %arg5[%add3A_93, %dma_start3A] : memref<20480x128xf32, #tpu.memory_space<hbm>> -> memref<128x128xf32, #tpu.memory_space<hbm>>
        %dma_start3A_95 = arith.constant 0 : i32
        %dma_start3A_96 = tpu.memref_slice %arg5[%add3A_93, %dma_start3A_95] : memref<20480x128xf32, #tpu.memory_space<hbm>> -> memref<128x128xf32, #tpu.memory_space<hbm>>
        tpu.enqueue_dma source(%arg6 : memref<128x128xf32, #tpu.memory_space<vmem>>) target(%dma_start3A_96 : memref<128x128xf32, #tpu.memory_space<hbm>>) target_semaphore(%run_scoped3A : memref<!tpu.dma_semaphore, #tpu.memory_space<semaphore_mem>>)
        %dma_wait3A = arith.constant 0 : i32
        %dma_wait3A_97 = tpu.memref_slice %arg5[%add3A_93, %dma_wait3A] : memref<20480x128xf32, #tpu.memory_space<hbm>> -> memref<128x128xf32, #tpu.memory_space<hbm>>
        %dma_wait3A_98 = arith.constant 0 : i32
        %dma_wait3A_99 = tpu.memref_slice %arg5[%add3A_93, %dma_wait3A_98] : memref<20480x128xf32, #tpu.memory_space<hbm>> -> memref<128x128xf32, #tpu.memory_space<hbm>>
        tpu.wait_dma2 semaphore(%run_scoped3A : memref<!tpu.dma_semaphore, #tpu.memory_space<semaphore_mem>>) src(%arg6 : memref<128x128xf32, #tpu.memory_space<vmem>>) dst(%dma_wait3A_99 : memref<128x128xf32, #tpu.memory_space<hbm>>)
        tpu.yield
      }) : () -> ()
    }
    %scan3A_17 = arith.constant 5 : i32
    return
  }
}

#map = affine_map<(d0, d1) -> (0, 0)>
#map1 = affine_map<(d0, d1) -> (0)>
module attributes {stable_mosaic.version = 14 : i64} {
  func.func @_gather_body(%arg0: i32, %arg1: i32, %arg2: memref<10000x128xf32, #tpu.memory_space<hbm>>, %arg3: memref<491520xi32, #tpu.memory_space<hbm>>, %arg4: memref<491520x128xf32, #tpu.memory_space<hbm>>, %arg5: memref<15360xi32, #tpu.memory_space<vmem>>, %arg6: memref<768x128xf32, #tpu.memory_space<vmem>>, %arg7: memref<!tpu.dma_semaphore, #tpu.memory_space<semaphore_mem>>, %arg8: memref<!tpu.dma_semaphore, #tpu.memory_space<semaphore_mem>>) attributes {dimension_semantics = [#tpu.dimension_semantics<core_parallel>, #tpu.dimension_semantics<subcore_parallel>], iteration_bounds = array<i64: 2, 16>, scalar_prefetch = 0 : i64, scratch_operands = 4 : i64, tpu.core_type = #tpu.core_type<sc_vector_subcore>, window_params = [{transform_indices = #map}, {transform_indices = #map1}, {transform_indices = #map}]} {
    %mul3A = arith.constant 2 : i32
    %mul3A_0 = arith.muli %arg1, %mul3A : i32
    %add3A = arith.addi %mul3A_0, %arg0 : i32
    %mul3A_1 = arith.constant 15360 : i32
    %mul3A_2 = arith.muli %add3A, %mul3A_1 : i32
    "tpu.region"() ({
      %run_scoped3A = tpu.sem_alloc : memref<!tpu.dma_semaphore, #tpu.memory_space<semaphore_mem>>
      %dma_start3A_55 = tpu.memref_slice %arg3[%mul3A_2] : memref<491520xi32, #tpu.memory_space<hbm>> -> memref<15360xi32, #tpu.memory_space<hbm>>
      %dma_start3A_56 = tpu.memref_slice %arg3[%mul3A_2] : memref<491520xi32, #tpu.memory_space<hbm>> -> memref<15360xi32, #tpu.memory_space<hbm>>
      tpu.enqueue_dma source(%dma_start3A_56 : memref<15360xi32, #tpu.memory_space<hbm>>) target(%arg5 : memref<15360xi32, #tpu.memory_space<vmem>>) target_semaphore(%run_scoped3A : memref<!tpu.dma_semaphore, #tpu.memory_space<semaphore_mem>>)
      %dma_wait3A_57 = tpu.memref_slice %arg3[%mul3A_2] : memref<491520xi32, #tpu.memory_space<hbm>> -> memref<15360xi32, #tpu.memory_space<hbm>>
      %dma_wait3A_58 = tpu.memref_slice %arg3[%mul3A_2] : memref<491520xi32, #tpu.memory_space<hbm>> -> memref<15360xi32, #tpu.memory_space<hbm>>
      tpu.wait_dma2 semaphore(%run_scoped3A : memref<!tpu.dma_semaphore, #tpu.memory_space<semaphore_mem>>) src(%dma_wait3A_58 : memref<15360xi32, #tpu.memory_space<hbm>>) dst(%arg5 : memref<15360xi32, #tpu.memory_space<vmem>>)
      tpu.yield
    }) : () -> ()
    %dma_start3A = arith.constant 0 : i32
    %dma_start3A_3 = arith.constant 0 : i32
    %dma_start3A_4 = tpu.memref_slice %arg6[%dma_start3A, %dma_start3A_3] : memref<768x128xf32, #tpu.memory_space<vmem>> -> memref<128x128xf32, #tpu.memory_space<vmem>>
    %dma_start3A_5 = arith.constant 0 : i32
    %dma_start3A_6 = tpu.memref_slice %arg5[%dma_start3A_5] : memref<15360xi32, #tpu.memory_space<vmem>> -> memref<128xi32, #tpu.memory_space<vmem>>
    %dma_start3A_7 = arith.constant 0 : i32
    %dma_start3A_8 = arith.constant 0 : i32
    %dma_start3A_9 = tpu.memref_slice %arg2[%dma_start3A_7, %dma_start3A_8] : memref<10000x128xf32, #tpu.memory_space<hbm>> -> memref<10000x128xf32, #tpu.memory_space<hbm>>
    tpu.enqueue_indirect_dma source(%dma_start3A_9 : memref<10000x128xf32, #tpu.memory_space<hbm>>) target(%dma_start3A_4 : memref<128x128xf32, #tpu.memory_space<vmem>>) offsets(%dma_start3A_6 : memref<128xi32, #tpu.memory_space<vmem>>) semaphore(%arg7 : memref<!tpu.dma_semaphore, #tpu.memory_space<semaphore_mem>>)
    %dma_start3A_10 = arith.constant 128 : i32
    %dma_start3A_11 = arith.constant 0 : i32
    %dma_start3A_12 = tpu.memref_slice %arg6[%dma_start3A_10, %dma_start3A_11] : memref<768x128xf32, #tpu.memory_space<vmem>> -> memref<128x128xf32, #tpu.memory_space<vmem>>
    %dma_start3A_13 = arith.constant 128 : i32
    %dma_start3A_14 = tpu.memref_slice %arg5[%dma_start3A_13] : memref<15360xi32, #tpu.memory_space<vmem>> -> memref<128xi32, #tpu.memory_space<vmem>>
    %dma_start3A_15 = arith.constant 0 : i32
    %dma_start3A_16 = arith.constant 0 : i32
    %dma_start3A_17 = tpu.memref_slice %arg2[%dma_start3A_15, %dma_start3A_16] : memref<10000x128xf32, #tpu.memory_space<hbm>> -> memref<10000x128xf32, #tpu.memory_space<hbm>>
    tpu.enqueue_indirect_dma source(%dma_start3A_17 : memref<10000x128xf32, #tpu.memory_space<hbm>>) target(%dma_start3A_12 : memref<128x128xf32, #tpu.memory_space<vmem>>) offsets(%dma_start3A_14 : memref<128xi32, #tpu.memory_space<vmem>>) semaphore(%arg7 : memref<!tpu.dma_semaphore, #tpu.memory_space<semaphore_mem>>)
    %dma_start3A_18 = arith.constant 256 : i32
    %dma_start3A_19 = arith.constant 0 : i32
    %dma_start3A_20 = tpu.memref_slice %arg6[%dma_start3A_18, %dma_start3A_19] : memref<768x128xf32, #tpu.memory_space<vmem>> -> memref<128x128xf32, #tpu.memory_space<vmem>>
    %dma_start3A_21 = arith.constant 256 : i32
    %dma_start3A_22 = tpu.memref_slice %arg5[%dma_start3A_21] : memref<15360xi32, #tpu.memory_space<vmem>> -> memref<128xi32, #tpu.memory_space<vmem>>
    %dma_start3A_23 = arith.constant 0 : i32
    %dma_start3A_24 = arith.constant 0 : i32
    %dma_start3A_25 = tpu.memref_slice %arg2[%dma_start3A_23, %dma_start3A_24] : memref<10000x128xf32, #tpu.memory_space<hbm>> -> memref<10000x128xf32, #tpu.memory_space<hbm>>
    tpu.enqueue_indirect_dma source(%dma_start3A_25 : memref<10000x128xf32, #tpu.memory_space<hbm>>) target(%dma_start3A_20 : memref<128x128xf32, #tpu.memory_space<vmem>>) offsets(%dma_start3A_22 : memref<128xi32, #tpu.memory_space<vmem>>) semaphore(%arg7 : memref<!tpu.dma_semaphore, #tpu.memory_space<semaphore_mem>>)
    %dma_wait3A = arith.constant 0 : i32
    %dma_wait3A_26 = arith.constant 0 : i32
    %dma_wait3A_27 = tpu.memref_slice %arg6[%dma_wait3A, %dma_wait3A_26] : memref<768x128xf32, #tpu.memory_space<vmem>> -> memref<128x128xf32, #tpu.memory_space<vmem>>
    %dma_wait3A_28 = arith.constant 0 : i32
    %dma_wait3A_29 = tpu.memref_slice %arg5[%dma_wait3A_28] : memref<15360xi32, #tpu.memory_space<vmem>> -> memref<128xi32, #tpu.memory_space<vmem>>
    %dma_wait3A_30 = arith.constant 0 : i32
    %dma_wait3A_31 = arith.constant 0 : i32
    %dma_wait3A_32 = tpu.memref_slice %arg2[%dma_wait3A_30, %dma_wait3A_31] : memref<10000x128xf32, #tpu.memory_space<hbm>> -> memref<10000x128xf32, #tpu.memory_space<hbm>>
    tpu.wait_indirect_dma semaphore(%arg7 : memref<!tpu.dma_semaphore, #tpu.memory_space<semaphore_mem>>) src(%dma_wait3A_32 : memref<10000x128xf32, #tpu.memory_space<hbm>>) dst(%dma_wait3A_27 : memref<128x128xf32, #tpu.memory_space<vmem>>)
    %dma_wait3A_33 = arith.constant 128 : i32
    %dma_wait3A_34 = arith.constant 0 : i32
    %dma_wait3A_35 = tpu.memref_slice %arg6[%dma_wait3A_33, %dma_wait3A_34] : memref<768x128xf32, #tpu.memory_space<vmem>> -> memref<128x128xf32, #tpu.memory_space<vmem>>
    %dma_wait3A_36 = arith.constant 128 : i32
    %dma_wait3A_37 = tpu.memref_slice %arg5[%dma_wait3A_36] : memref<15360xi32, #tpu.memory_space<vmem>> -> memref<128xi32, #tpu.memory_space<vmem>>
    %dma_wait3A_38 = arith.constant 0 : i32
    %dma_wait3A_39 = arith.constant 0 : i32
    %dma_wait3A_40 = tpu.memref_slice %arg2[%dma_wait3A_38, %dma_wait3A_39] : memref<10000x128xf32, #tpu.memory_space<hbm>> -> memref<10000x128xf32, #tpu.memory_space<hbm>>
    tpu.wait_indirect_dma semaphore(%arg7 : memref<!tpu.dma_semaphore, #tpu.memory_space<semaphore_mem>>) src(%dma_wait3A_40 : memref<10000x128xf32, #tpu.memory_space<hbm>>) dst(%dma_wait3A_35 : memref<128x128xf32, #tpu.memory_space<vmem>>)
    %dma_wait3A_41 = arith.constant 256 : i32
    %dma_wait3A_42 = arith.constant 0 : i32
    %dma_wait3A_43 = tpu.memref_slice %arg6[%dma_wait3A_41, %dma_wait3A_42] : memref<768x128xf32, #tpu.memory_space<vmem>> -> memref<128x128xf32, #tpu.memory_space<vmem>>
    %dma_wait3A_44 = arith.constant 256 : i32
    %dma_wait3A_45 = tpu.memref_slice %arg5[%dma_wait3A_44] : memref<15360xi32, #tpu.memory_space<vmem>> -> memref<128xi32, #tpu.memory_space<vmem>>
    %dma_wait3A_46 = arith.constant 0 : i32
    %dma_wait3A_47 = arith.constant 0 : i32
    %dma_wait3A_48 = tpu.memref_slice %arg2[%dma_wait3A_46, %dma_wait3A_47] : memref<10000x128xf32, #tpu.memory_space<hbm>> -> memref<10000x128xf32, #tpu.memory_space<hbm>>
    tpu.wait_indirect_dma semaphore(%arg7 : memref<!tpu.dma_semaphore, #tpu.memory_space<semaphore_mem>>) src(%dma_wait3A_48 : memref<10000x128xf32, #tpu.memory_space<hbm>>) dst(%dma_wait3A_43 : memref<128x128xf32, #tpu.memory_space<vmem>>)
    %scan3A = arith.constant 0 : i32
    %scan3A_49 = arith.constant 39 : i32
    %scan3A_50 = arith.addi %scan3A, %scan3A_49 : i32
    %scan3A_51 = arith.constant 1 : i32
    scf.for %scan3A_55 = %scan3A to %scan3A_50 step %scan3A_51  : i32 {
      %mul3A_56 = arith.constant 1 : i32
      %mul3A_57 = arith.muli %scan3A_55, %mul3A_56 : i32
      %add3A_58 = arith.constant 0 : i32
      %add3A_59 = arith.addi %add3A_58, %mul3A_57 : i32
      %mul3A_60 = arith.constant 384 : i32
      %mul3A_61 = arith.muli %add3A_59, %mul3A_60 : i32
      %rem3A = arith.constant 2 : i32
      %rem3A_62 = arith.remsi %add3A_59, %rem3A : i32
      %mul3A_63 = arith.constant 384 : i32
      %mul3A_64 = arith.muli %rem3A_62, %mul3A_63 : i32
      %add3A_65 = arith.addi %mul3A_2, %mul3A_61 : i32
      %dma_start3A_66 = arith.constant 0 : i32
      %dma_start3A_67 = tpu.memref_slice %arg6[%mul3A_64, %dma_start3A_66] : memref<768x128xf32, #tpu.memory_space<vmem>> -> memref<384x128xf32, #tpu.memory_space<vmem>>
      %dma_start3A_68 = arith.constant 0 : i32
      %dma_start3A_69 = tpu.memref_slice %arg4[%add3A_65, %dma_start3A_68] : memref<491520x128xf32, #tpu.memory_space<hbm>> -> memref<384x128xf32, #tpu.memory_space<hbm>>
      %dma_start3A_70 = arith.constant 0 : i32
      %dma_start3A_71 = tpu.memref_slice %arg4[%add3A_65, %dma_start3A_70] : memref<491520x128xf32, #tpu.memory_space<hbm>> -> memref<384x128xf32, #tpu.memory_space<hbm>>
      %dma_start3A_72 = arith.constant 0 : i32
      %dma_start3A_73 = tpu.memref_slice %arg6[%mul3A_64, %dma_start3A_72] : memref<768x128xf32, #tpu.memory_space<vmem>> -> memref<384x128xf32, #tpu.memory_space<vmem>>
      tpu.enqueue_dma source(%dma_start3A_73 : memref<384x128xf32, #tpu.memory_space<vmem>>) target(%dma_start3A_71 : memref<384x128xf32, #tpu.memory_space<hbm>>) target_semaphore(%arg8 : memref<!tpu.dma_semaphore, #tpu.memory_space<semaphore_mem>>)
      %add3A_74 = arith.constant 384 : i32
      %add3A_75 = arith.addi %mul3A_61, %add3A_74 : i32
      %sub3A = arith.constant 1 : i32
      %sub3A_76 = arith.subi %sub3A, %rem3A_62 : i32
      %add3A_77 = arith.constant 0 : i32
      %add3A_78 = arith.addi %add3A_75, %add3A_77 : i32
      %mul3A_79 = arith.constant 384 : i32
      %mul3A_80 = arith.muli %sub3A_76, %mul3A_79 : i32
      %add3A_81 = arith.constant 0 : i32
      %add3A_82 = arith.addi %mul3A_80, %add3A_81 : i32
      %dma_start3A_83 = arith.constant 0 : i32
      %dma_start3A_84 = tpu.memref_slice %arg6[%add3A_82, %dma_start3A_83] : memref<768x128xf32, #tpu.memory_space<vmem>> -> memref<128x128xf32, #tpu.memory_space<vmem>>
      %dma_start3A_85 = tpu.memref_slice %arg5[%add3A_78] : memref<15360xi32, #tpu.memory_space<vmem>> -> memref<128xi32, #tpu.memory_space<vmem>>
      %dma_start3A_86 = arith.constant 0 : i32
      %dma_start3A_87 = arith.constant 0 : i32
      %dma_start3A_88 = tpu.memref_slice %arg2[%dma_start3A_86, %dma_start3A_87] : memref<10000x128xf32, #tpu.memory_space<hbm>> -> memref<10000x128xf32, #tpu.memory_space<hbm>>
      tpu.enqueue_indirect_dma source(%dma_start3A_88 : memref<10000x128xf32, #tpu.memory_space<hbm>>) target(%dma_start3A_84 : memref<128x128xf32, #tpu.memory_space<vmem>>) offsets(%dma_start3A_85 : memref<128xi32, #tpu.memory_space<vmem>>) semaphore(%arg7 : memref<!tpu.dma_semaphore, #tpu.memory_space<semaphore_mem>>)
      %add3A_89 = arith.constant 128 : i32
      %add3A_90 = arith.addi %add3A_75, %add3A_89 : i32
      %mul3A_91 = arith.constant 384 : i32
      %mul3A_92 = arith.muli %sub3A_76, %mul3A_91 : i32
      %add3A_93 = arith.constant 128 : i32
      %add3A_94 = arith.addi %mul3A_92, %add3A_93 : i32
      %dma_start3A_95 = arith.constant 0 : i32
      %dma_start3A_96 = tpu.memref_slice %arg6[%add3A_94, %dma_start3A_95] : memref<768x128xf32, #tpu.memory_space<vmem>> -> memref<128x128xf32, #tpu.memory_space<vmem>>
      %dma_start3A_97 = tpu.memref_slice %arg5[%add3A_90] : memref<15360xi32, #tpu.memory_space<vmem>> -> memref<128xi32, #tpu.memory_space<vmem>>
      %dma_start3A_98 = arith.constant 0 : i32
      %dma_start3A_99 = arith.constant 0 : i32
      %dma_start3A_100 = tpu.memref_slice %arg2[%dma_start3A_98, %dma_start3A_99] : memref<10000x128xf32, #tpu.memory_space<hbm>> -> memref<10000x128xf32, #tpu.memory_space<hbm>>
      tpu.enqueue_indirect_dma source(%dma_start3A_100 : memref<10000x128xf32, #tpu.memory_space<hbm>>) target(%dma_start3A_96 : memref<128x128xf32, #tpu.memory_space<vmem>>) offsets(%dma_start3A_97 : memref<128xi32, #tpu.memory_space<vmem>>) semaphore(%arg7 : memref<!tpu.dma_semaphore, #tpu.memory_space<semaphore_mem>>)
      %add3A_101 = arith.constant 256 : i32
      %add3A_102 = arith.addi %add3A_75, %add3A_101 : i32
      %mul3A_103 = arith.constant 384 : i32
      %mul3A_104 = arith.muli %sub3A_76, %mul3A_103 : i32
      %add3A_105 = arith.constant 256 : i32
      %add3A_106 = arith.addi %mul3A_104, %add3A_105 : i32
      %dma_start3A_107 = arith.constant 0 : i32
      %dma_start3A_108 = tpu.memref_slice %arg6[%add3A_106, %dma_start3A_107] : memref<768x128xf32, #tpu.memory_space<vmem>> -> memref<128x128xf32, #tpu.memory_space<vmem>>
      %dma_start3A_109 = tpu.memref_slice %arg5[%add3A_102] : memref<15360xi32, #tpu.memory_space<vmem>> -> memref<128xi32, #tpu.memory_space<vmem>>
      %dma_start3A_110 = arith.constant 0 : i32
      %dma_start3A_111 = arith.constant 0 : i32
      %dma_start3A_112 = tpu.memref_slice %arg2[%dma_start3A_110, %dma_start3A_111] : memref<10000x128xf32, #tpu.memory_space<hbm>> -> memref<10000x128xf32, #tpu.memory_space<hbm>>
      tpu.enqueue_indirect_dma source(%dma_start3A_112 : memref<10000x128xf32, #tpu.memory_space<hbm>>) target(%dma_start3A_108 : memref<128x128xf32, #tpu.memory_space<vmem>>) offsets(%dma_start3A_109 : memref<128xi32, #tpu.memory_space<vmem>>) semaphore(%arg7 : memref<!tpu.dma_semaphore, #tpu.memory_space<semaphore_mem>>)
      %dma_wait3A_113 = arith.constant 0 : i32
      %dma_wait3A_114 = tpu.memref_slice %arg6[%add3A_82, %dma_wait3A_113] : memref<768x128xf32, #tpu.memory_space<vmem>> -> memref<128x128xf32, #tpu.memory_space<vmem>>
      %dma_wait3A_115 = tpu.memref_slice %arg5[%add3A_78] : memref<15360xi32, #tpu.memory_space<vmem>> -> memref<128xi32, #tpu.memory_space<vmem>>
      %dma_wait3A_116 = arith.constant 0 : i32
      %dma_wait3A_117 = arith.constant 0 : i32
      %dma_wait3A_118 = tpu.memref_slice %arg2[%dma_wait3A_116, %dma_wait3A_117] : memref<10000x128xf32, #tpu.memory_space<hbm>> -> memref<10000x128xf32, #tpu.memory_space<hbm>>
      tpu.wait_indirect_dma semaphore(%arg7 : memref<!tpu.dma_semaphore, #tpu.memory_space<semaphore_mem>>) src(%dma_wait3A_118 : memref<10000x128xf32, #tpu.memory_space<hbm>>) dst(%dma_wait3A_114 : memref<128x128xf32, #tpu.memory_space<vmem>>)
      %dma_wait3A_119 = arith.constant 0 : i32
      %dma_wait3A_120 = tpu.memref_slice %arg6[%add3A_94, %dma_wait3A_119] : memref<768x128xf32, #tpu.memory_space<vmem>> -> memref<128x128xf32, #tpu.memory_space<vmem>>
      %dma_wait3A_121 = tpu.memref_slice %arg5[%add3A_90] : memref<15360xi32, #tpu.memory_space<vmem>> -> memref<128xi32, #tpu.memory_space<vmem>>
      %dma_wait3A_122 = arith.constant 0 : i32
      %dma_wait3A_123 = arith.constant 0 : i32
      %dma_wait3A_124 = tpu.memref_slice %arg2[%dma_wait3A_122, %dma_wait3A_123] : memref<10000x128xf32, #tpu.memory_space<hbm>> -> memref<10000x128xf32, #tpu.memory_space<hbm>>
      tpu.wait_indirect_dma semaphore(%arg7 : memref<!tpu.dma_semaphore, #tpu.memory_space<semaphore_mem>>) src(%dma_wait3A_124 : memref<10000x128xf32, #tpu.memory_space<hbm>>) dst(%dma_wait3A_120 : memref<128x128xf32, #tpu.memory_space<vmem>>)
      %dma_wait3A_125 = arith.constant 0 : i32
      %dma_wait3A_126 = tpu.memref_slice %arg6[%add3A_106, %dma_wait3A_125] : memref<768x128xf32, #tpu.memory_space<vmem>> -> memref<128x128xf32, #tpu.memory_space<vmem>>
      %dma_wait3A_127 = tpu.memref_slice %arg5[%add3A_102] : memref<15360xi32, #tpu.memory_space<vmem>> -> memref<128xi32, #tpu.memory_space<vmem>>
      %dma_wait3A_128 = arith.constant 0 : i32
      %dma_wait3A_129 = arith.constant 0 : i32
      %dma_wait3A_130 = tpu.memref_slice %arg2[%dma_wait3A_128, %dma_wait3A_129] : memref<10000x128xf32, #tpu.memory_space<hbm>> -> memref<10000x128xf32, #tpu.memory_space<hbm>>
      tpu.wait_indirect_dma semaphore(%arg7 : memref<!tpu.dma_semaphore, #tpu.memory_space<semaphore_mem>>) src(%dma_wait3A_130 : memref<10000x128xf32, #tpu.memory_space<hbm>>) dst(%dma_wait3A_126 : memref<128x128xf32, #tpu.memory_space<vmem>>)
      %dma_wait3A_131 = arith.constant 0 : i32
      %dma_wait3A_132 = tpu.memref_slice %arg6[%mul3A_64, %dma_wait3A_131] : memref<768x128xf32, #tpu.memory_space<vmem>> -> memref<384x128xf32, #tpu.memory_space<vmem>>
      %dma_wait3A_133 = arith.constant 0 : i32
      %dma_wait3A_134 = tpu.memref_slice %arg4[%add3A_65, %dma_wait3A_133] : memref<491520x128xf32, #tpu.memory_space<hbm>> -> memref<384x128xf32, #tpu.memory_space<hbm>>
      %dma_wait3A_135 = arith.constant 0 : i32
      %dma_wait3A_136 = tpu.memref_slice %arg4[%add3A_65, %dma_wait3A_135] : memref<491520x128xf32, #tpu.memory_space<hbm>> -> memref<384x128xf32, #tpu.memory_space<hbm>>
      %dma_wait3A_137 = arith.constant 0 : i32
      %dma_wait3A_138 = tpu.memref_slice %arg6[%mul3A_64, %dma_wait3A_137] : memref<768x128xf32, #tpu.memory_space<vmem>> -> memref<384x128xf32, #tpu.memory_space<vmem>>
      tpu.wait_dma2 semaphore(%arg8 : memref<!tpu.dma_semaphore, #tpu.memory_space<semaphore_mem>>) src(%dma_wait3A_138 : memref<384x128xf32, #tpu.memory_space<vmem>>) dst(%dma_wait3A_136 : memref<384x128xf32, #tpu.memory_space<hbm>>)
    }
    %scan3A_52 = arith.constant 39 : i32
    %add3A_53 = arith.constant 14976 : i32
    %add3A_54 = arith.addi %mul3A_2, %add3A_53 : i32
    "tpu.region"() ({
      %run_scoped3A = tpu.sem_alloc : memref<!tpu.dma_semaphore, #tpu.memory_space<semaphore_mem>>
      %dma_start3A_55 = arith.constant 384 : i32
      %dma_start3A_56 = arith.constant 0 : i32
      %dma_start3A_57 = tpu.memref_slice %arg6[%dma_start3A_55, %dma_start3A_56] : memref<768x128xf32, #tpu.memory_space<vmem>> -> memref<384x128xf32, #tpu.memory_space<vmem>>
      %dma_start3A_58 = arith.constant 0 : i32
      %dma_start3A_59 = tpu.memref_slice %arg4[%add3A_54, %dma_start3A_58] : memref<491520x128xf32, #tpu.memory_space<hbm>> -> memref<384x128xf32, #tpu.memory_space<hbm>>
      %dma_start3A_60 = arith.constant 0 : i32
      %dma_start3A_61 = tpu.memref_slice %arg4[%add3A_54, %dma_start3A_60] : memref<491520x128xf32, #tpu.memory_space<hbm>> -> memref<384x128xf32, #tpu.memory_space<hbm>>
      %dma_start3A_62 = arith.constant 384 : i32
      %dma_start3A_63 = arith.constant 0 : i32
      %dma_start3A_64 = tpu.memref_slice %arg6[%dma_start3A_62, %dma_start3A_63] : memref<768x128xf32, #tpu.memory_space<vmem>> -> memref<384x128xf32, #tpu.memory_space<vmem>>
      tpu.enqueue_dma source(%dma_start3A_64 : memref<384x128xf32, #tpu.memory_space<vmem>>) target(%dma_start3A_61 : memref<384x128xf32, #tpu.memory_space<hbm>>) target_semaphore(%run_scoped3A : memref<!tpu.dma_semaphore, #tpu.memory_space<semaphore_mem>>)
      %dma_wait3A_65 = arith.constant 384 : i32
      %dma_wait3A_66 = arith.constant 0 : i32
      %dma_wait3A_67 = tpu.memref_slice %arg6[%dma_wait3A_65, %dma_wait3A_66] : memref<768x128xf32, #tpu.memory_space<vmem>> -> memref<384x128xf32, #tpu.memory_space<vmem>>
      %dma_wait3A_68 = arith.constant 0 : i32
      %dma_wait3A_69 = tpu.memref_slice %arg4[%add3A_54, %dma_wait3A_68] : memref<491520x128xf32, #tpu.memory_space<hbm>> -> memref<384x128xf32, #tpu.memory_space<hbm>>
      %dma_wait3A_70 = arith.constant 0 : i32
      %dma_wait3A_71 = tpu.memref_slice %arg4[%add3A_54, %dma_wait3A_70] : memref<491520x128xf32, #tpu.memory_space<hbm>> -> memref<384x128xf32, #tpu.memory_space<hbm>>
      %dma_wait3A_72 = arith.constant 384 : i32
      %dma_wait3A_73 = arith.constant 0 : i32
      %dma_wait3A_74 = tpu.memref_slice %arg6[%dma_wait3A_72, %dma_wait3A_73] : memref<768x128xf32, #tpu.memory_space<vmem>> -> memref<384x128xf32, #tpu.memory_space<vmem>>
      tpu.wait_dma2 semaphore(%run_scoped3A : memref<!tpu.dma_semaphore, #tpu.memory_space<semaphore_mem>>) src(%dma_wait3A_74 : memref<384x128xf32, #tpu.memory_space<vmem>>) dst(%dma_wait3A_71 : memref<384x128xf32, #tpu.memory_space<hbm>>)
      tpu.yield
    }) : () -> ()
    return
  }
}

module attributes {stable_mosaic.version = 14 : i64} {
  func.func @_gru_body(%arg0: i32, %arg1: memref<1280x128xf32, #tpu.memory_space<vmem>>, %arg2: memref<1280x128xf32, #tpu.memory_space<vmem>>, %arg3: memref<1280x128xf32, #tpu.memory_space<vmem>>, %arg4: memref<1280x1xi32, #tpu.memory_space<vmem>>, %arg5: memref<128x384xf32, #tpu.memory_space<vmem>>, %arg6: memref<128x384xf32, #tpu.memory_space<vmem>>, %arg7: memref<1x384xf32, #tpu.memory_space<vmem>>, %arg8: memref<1x384xf32, #tpu.memory_space<vmem>>, %arg9: memref<1x128xf32, #tpu.memory_space<vmem>>, %arg10: memref<1280x128xf32, #tpu.memory_space<vmem>>, %arg11: memref<80x128xf32, #tpu.memory_space<vmem>>) attributes {dimension_semantics = [#tpu.dimension_semantics<arbitrary>], iteration_bounds = array<i64: 128>, scalar_prefetch = 0 : i64, scratch_operands = 0 : i64, tpu.core_type = #tpu.core_type<tc>, window_params = [{transform_indices = @transform_0, window_bounds = array<i64: 1280, 128>}, {transform_indices = @transform_1, window_bounds = array<i64: 1280, 128>}, {transform_indices = @transform_2, window_bounds = array<i64: 1280, 128>}, {transform_indices = @transform_3, window_bounds = array<i64: 1280, 1>}, {pipeline_mode = #tpu.pipeline_mode<synchronous>, transform_indices = @transform_4, window_bounds = array<i64: 128, 384>}, {pipeline_mode = #tpu.pipeline_mode<synchronous>, transform_indices = @transform_5, window_bounds = array<i64: 128, 384>}, {pipeline_mode = #tpu.pipeline_mode<synchronous>, transform_indices = @transform_6, window_bounds = array<i64: 1, 384>}, {pipeline_mode = #tpu.pipeline_mode<synchronous>, transform_indices = @transform_7, window_bounds = array<i64: 1, 384>}, {pipeline_mode = #tpu.pipeline_mode<synchronous>, transform_indices = @transform_8, window_bounds = array<i64: 1, 128>}, {transform_indices = @transform_9, window_bounds = array<i64: 1280, 128>}, {pipeline_mode = #tpu.pipeline_mode<synchronous>, transform_indices = @transform_10, window_bounds = array<i64: 80, 128>}]} {
    %lt3A = arith.constant 125 : i32
    %lt3A_0 = arith.cmpi slt, %arg0, %lt3A : i32
    %get3A = arith.constant 0 : index
    %get3A_1 = arith.constant 0 : index
    %get3A_2 = vector.load %arg5[%get3A, %get3A_1] : memref<128x384xf32, #tpu.memory_space<vmem>>, vector<128x384xf32>
    %get3A_3 = arith.constant 0 : index
    %get3A_4 = arith.constant 0 : index
    %get3A_5 = vector.load %arg6[%get3A_3, %get3A_4] : memref<128x384xf32, #tpu.memory_space<vmem>>, vector<128x384xf32>
    %get3A_6 = arith.constant 0 : index
    %get3A_7 = arith.constant 0 : index
    %get3A_8 = vector.load %arg7[%get3A_6, %get3A_7] : memref<1x384xf32, #tpu.memory_space<vmem>>, vector<1x384xf32>
    %get3A_9 = arith.constant 0 : index
    %get3A_10 = arith.constant 0 : index
    %get3A_11 = vector.load %arg8[%get3A_9, %get3A_10] : memref<1x384xf32, #tpu.memory_space<vmem>>, vector<1x384xf32>
    %get3A_12 = arith.constant 0 : index
    %get3A_13 = arith.constant 0 : index
    %get3A_14 = vector.load %arg1[%get3A_12, %get3A_13] : memref<1280x128xf32, #tpu.memory_space<vmem>>, vector<1280x128xf32>
    %dot_general3A = arith.constant dense<0.000000e+00> : vector<1280x384xf32>
    %dot_general3A_15 = tpu.matmul %get3A_14, %get3A_2, %dot_general3A {dimension_numbers = #tpu.dot_dimension_numbers<[1], [0], [0], [1], [0, 0, 1, 1], [], []>, transpose_lhs_hint = false} : vector<1280x128xf32>, vector<128x384xf32>, vector<1280x384xf32> -> vector<1280x384xf32>
    %add3A = vector.broadcast %get3A_8 : vector<1x384xf32> to vector<1280x384xf32>
    %add3A_16 = arith.addf %dot_general3A_15, %add3A : vector<1280x384xf32>
    %slice3A = vector.extract_strided_slice %add3A_16 {offsets = [0, 0], sizes = [1280, 128], strides = [1, 1]} : vector<1280x384xf32> to vector<1280x128xf32>
    %slice3A_17 = vector.extract_strided_slice %get3A_11 {offsets = [0, 0], sizes = [1, 128], strides = [1, 1]} : vector<1x384xf32> to vector<1x128xf32>
    %add3A_18 = vector.broadcast %slice3A_17 : vector<1x128xf32> to vector<1280x128xf32>
    %add3A_19 = arith.addf %slice3A, %add3A_18 : vector<1280x128xf32>
    %logistic3A = arith.negf %add3A_19 : vector<1280x128xf32>
    %logistic3A_20 = math.exp %logistic3A : vector<1280x128xf32>
    %logistic3A_21 = arith.constant 1.000000e+00 : f32
    %logistic3A_22 = vector.broadcast %logistic3A_21 : f32 to vector<1280x128xf32>
    %logistic3A_23 = arith.addf %logistic3A_22, %logistic3A_20 : vector<1280x128xf32>
    %logistic3A_24 = arith.divf %logistic3A_22, %logistic3A_23 : vector<1280x128xf32>
    %slice3A_25 = vector.extract_strided_slice %add3A_16 {offsets = [0, 128], sizes = [1280, 128], strides = [1, 1]} : vector<1280x384xf32> to vector<1280x128xf32>
    %slice3A_26 = vector.extract_strided_slice %get3A_11 {offsets = [0, 128], sizes = [1, 128], strides = [1, 1]} : vector<1x384xf32> to vector<1x128xf32>
    %add3A_27 = vector.broadcast %slice3A_26 : vector<1x128xf32> to vector<1280x128xf32>
    %add3A_28 = arith.addf %slice3A_25, %add3A_27 : vector<1280x128xf32>
    %logistic3A_29 = arith.negf %add3A_28 : vector<1280x128xf32>
    %logistic3A_30 = math.exp %logistic3A_29 : vector<1280x128xf32>
    %logistic3A_31 = arith.constant 1.000000e+00 : f32
    %logistic3A_32 = vector.broadcast %logistic3A_31 : f32 to vector<1280x128xf32>
    %logistic3A_33 = arith.addf %logistic3A_32, %logistic3A_30 : vector<1280x128xf32>
    %logistic3A_34 = arith.divf %logistic3A_32, %logistic3A_33 : vector<1280x128xf32>
    %slice3A_35 = vector.extract_strided_slice %add3A_16 {offsets = [0, 256], sizes = [1280, 128], strides = [1, 1]} : vector<1280x384xf32> to vector<1280x128xf32>
    %slice3A_36 = vector.extract_strided_slice %get3A_11 {offsets = [0, 256], sizes = [1, 128], strides = [1, 1]} : vector<1x384xf32> to vector<1x128xf32>
    %mul3A = vector.broadcast %slice3A_36 : vector<1x128xf32> to vector<1280x128xf32>
    %mul3A_37 = arith.mulf %logistic3A_24, %mul3A : vector<1280x128xf32>
    %add3A_38 = arith.addf %slice3A_35, %mul3A_37 : vector<1280x128xf32>
    %tanh3A = math.tanh %add3A_38 : vector<1280x128xf32>
    %sub3A = arith.constant 1.000000e+00 : f32
    %sub3A_39 = vector.broadcast %sub3A : f32 to vector<1280x128xf32>
    %sub3A_40 = arith.subf %sub3A_39, %logistic3A_34 : vector<1280x128xf32>
    %mul3A_41 = arith.mulf %sub3A_40, %tanh3A : vector<1280x128xf32>
    %get3A_42 = arith.constant 0 : index
    %get3A_43 = arith.constant 0 : index
    %get3A_44 = vector.load %arg2[%get3A_42, %get3A_43] : memref<1280x128xf32, #tpu.memory_space<vmem>>, vector<1280x128xf32>
    %dot_general3A_45 = arith.constant dense<0.000000e+00> : vector<1280x384xf32>
    %dot_general3A_46 = tpu.matmul %get3A_44, %get3A_2, %dot_general3A_45 {dimension_numbers = #tpu.dot_dimension_numbers<[1], [0], [0], [1], [0, 0, 1, 1], [], []>, transpose_lhs_hint = false} : vector<1280x128xf32>, vector<128x384xf32>, vector<1280x384xf32> -> vector<1280x384xf32>
    %add3A_47 = vector.broadcast %get3A_8 : vector<1x384xf32> to vector<1280x384xf32>
    %add3A_48 = arith.addf %dot_general3A_46, %add3A_47 : vector<1280x384xf32>
    %dot_general3A_49 = arith.constant dense<0.000000e+00> : vector<1280x384xf32>
    %dot_general3A_50 = tpu.matmul %mul3A_41, %get3A_5, %dot_general3A_49 {dimension_numbers = #tpu.dot_dimension_numbers<[1], [0], [0], [1], [0, 0, 1, 1], [], []>, transpose_lhs_hint = false} : vector<1280x128xf32>, vector<128x384xf32>, vector<1280x384xf32> -> vector<1280x384xf32>
    %add3A_51 = vector.broadcast %get3A_11 : vector<1x384xf32> to vector<1280x384xf32>
    %add3A_52 = arith.addf %dot_general3A_50, %add3A_51 : vector<1280x384xf32>
    %slice3A_53 = vector.extract_strided_slice %add3A_48 {offsets = [0, 0], sizes = [1280, 128], strides = [1, 1]} : vector<1280x384xf32> to vector<1280x128xf32>
    %slice3A_54 = vector.extract_strided_slice %add3A_52 {offsets = [0, 0], sizes = [1280, 128], strides = [1, 1]} : vector<1280x384xf32> to vector<1280x128xf32>
    %add3A_55 = arith.addf %slice3A_53, %slice3A_54 : vector<1280x128xf32>
    %logistic3A_56 = arith.negf %add3A_55 : vector<1280x128xf32>
    %logistic3A_57 = math.exp %logistic3A_56 : vector<1280x128xf32>
    %logistic3A_58 = arith.constant 1.000000e+00 : f32
    %logistic3A_59 = vector.broadcast %logistic3A_58 : f32 to vector<1280x128xf32>
    %logistic3A_60 = arith.addf %logistic3A_59, %logistic3A_57 : vector<1280x128xf32>
    %logistic3A_61 = arith.divf %logistic3A_59, %logistic3A_60 : vector<1280x128xf32>
    %slice3A_62 = vector.extract_strided_slice %add3A_48 {offsets = [0, 128], sizes = [1280, 128], strides = [1, 1]} : vector<1280x384xf32> to vector<1280x128xf32>
    %slice3A_63 = vector.extract_strided_slice %add3A_52 {offsets = [0, 128], sizes = [1280, 128], strides = [1, 1]} : vector<1280x384xf32> to vector<1280x128xf32>
    %add3A_64 = arith.addf %slice3A_62, %slice3A_63 : vector<1280x128xf32>
    %logistic3A_65 = arith.negf %add3A_64 : vector<1280x128xf32>
    %logistic3A_66 = math.exp %logistic3A_65 : vector<1280x128xf32>
    %logistic3A_67 = arith.constant 1.000000e+00 : f32
    %logistic3A_68 = vector.broadcast %logistic3A_67 : f32 to vector<1280x128xf32>
    %logistic3A_69 = arith.addf %logistic3A_68, %logistic3A_66 : vector<1280x128xf32>
    %logistic3A_70 = arith.divf %logistic3A_68, %logistic3A_69 : vector<1280x128xf32>
    %slice3A_71 = vector.extract_strided_slice %add3A_48 {offsets = [0, 256], sizes = [1280, 128], strides = [1, 1]} : vector<1280x384xf32> to vector<1280x128xf32>
    %slice3A_72 = vector.extract_strided_slice %add3A_52 {offsets = [0, 256], sizes = [1280, 128], strides = [1, 1]} : vector<1280x384xf32> to vector<1280x128xf32>
    %mul3A_73 = arith.mulf %logistic3A_61, %slice3A_72 : vector<1280x128xf32>
    %add3A_74 = arith.addf %slice3A_71, %mul3A_73 : vector<1280x128xf32>
    %tanh3A_75 = math.tanh %add3A_74 : vector<1280x128xf32>
    %sub3A_76 = arith.constant 1.000000e+00 : f32
    %sub3A_77 = vector.broadcast %sub3A_76 : f32 to vector<1280x128xf32>
    %sub3A_78 = arith.subf %sub3A_77, %logistic3A_70 : vector<1280x128xf32>
    %mul3A_79 = arith.mulf %sub3A_78, %tanh3A_75 : vector<1280x128xf32>
    %mul3A_80 = arith.mulf %logistic3A_70, %mul3A_41 : vector<1280x128xf32>
    %add3A_81 = arith.addf %mul3A_79, %mul3A_80 : vector<1280x128xf32>
    %get3A_82 = arith.constant 0 : index
    %get3A_83 = arith.constant 0 : index
    %get3A_84 = vector.load %arg3[%get3A_82, %get3A_83] : memref<1280x128xf32, #tpu.memory_space<vmem>>, vector<1280x128xf32>
    %dot_general3A_85 = arith.constant dense<0.000000e+00> : vector<1280x384xf32>
    %dot_general3A_86 = tpu.matmul %get3A_84, %get3A_2, %dot_general3A_85 {dimension_numbers = #tpu.dot_dimension_numbers<[1], [0], [0], [1], [0, 0, 1, 1], [], []>, transpose_lhs_hint = false} : vector<1280x128xf32>, vector<128x384xf32>, vector<1280x384xf32> -> vector<1280x384xf32>
    %add3A_87 = vector.broadcast %get3A_8 : vector<1x384xf32> to vector<1280x384xf32>
    %add3A_88 = arith.addf %dot_general3A_86, %add3A_87 : vector<1280x384xf32>
    %dot_general3A_89 = arith.constant dense<0.000000e+00> : vector<1280x384xf32>
    %dot_general3A_90 = tpu.matmul %add3A_81, %get3A_5, %dot_general3A_89 {dimension_numbers = #tpu.dot_dimension_numbers<[1], [0], [0], [1], [0, 0, 1, 1], [], []>, transpose_lhs_hint = false} : vector<1280x128xf32>, vector<128x384xf32>, vector<1280x384xf32> -> vector<1280x384xf32>
    %add3A_91 = vector.broadcast %get3A_11 : vector<1x384xf32> to vector<1280x384xf32>
    %add3A_92 = arith.addf %dot_general3A_90, %add3A_91 : vector<1280x384xf32>
    %slice3A_93 = vector.extract_strided_slice %add3A_88 {offsets = [0, 0], sizes = [1280, 128], strides = [1, 1]} : vector<1280x384xf32> to vector<1280x128xf32>
    %slice3A_94 = vector.extract_strided_slice %add3A_92 {offsets = [0, 0], sizes = [1280, 128], strides = [1, 1]} : vector<1280x384xf32> to vector<1280x128xf32>
    %add3A_95 = arith.addf %slice3A_93, %slice3A_94 : vector<1280x128xf32>
    %logistic3A_96 = arith.negf %add3A_95 : vector<1280x128xf32>
    %logistic3A_97 = math.exp %logistic3A_96 : vector<1280x128xf32>
    %logistic3A_98 = arith.constant 1.000000e+00 : f32
    %logistic3A_99 = vector.broadcast %logistic3A_98 : f32 to vector<1280x128xf32>
    %logistic3A_100 = arith.addf %logistic3A_99, %logistic3A_97 : vector<1280x128xf32>
    %logistic3A_101 = arith.divf %logistic3A_99, %logistic3A_100 : vector<1280x128xf32>
    %slice3A_102 = vector.extract_strided_slice %add3A_88 {offsets = [0, 128], sizes = [1280, 128], strides = [1, 1]} : vector<1280x384xf32> to vector<1280x128xf32>
    %slice3A_103 = vector.extract_strided_slice %add3A_92 {offsets = [0, 128], sizes = [1280, 128], strides = [1, 1]} : vector<1280x384xf32> to vector<1280x128xf32>
    %add3A_104 = arith.addf %slice3A_102, %slice3A_103 : vector<1280x128xf32>
    %logistic3A_105 = arith.negf %add3A_104 : vector<1280x128xf32>
    %logistic3A_106 = math.exp %logistic3A_105 : vector<1280x128xf32>
    %logistic3A_107 = arith.constant 1.000000e+00 : f32
    %logistic3A_108 = vector.broadcast %logistic3A_107 : f32 to vector<1280x128xf32>
    %logistic3A_109 = arith.addf %logistic3A_108, %logistic3A_106 : vector<1280x128xf32>
    %logistic3A_110 = arith.divf %logistic3A_108, %logistic3A_109 : vector<1280x128xf32>
    %slice3A_111 = vector.extract_strided_slice %add3A_88 {offsets = [0, 256], sizes = [1280, 128], strides = [1, 1]} : vector<1280x384xf32> to vector<1280x128xf32>
    %slice3A_112 = vector.extract_strided_slice %add3A_92 {offsets = [0, 256], sizes = [1280, 128], strides = [1, 1]} : vector<1280x384xf32> to vector<1280x128xf32>
    %mul3A_113 = arith.mulf %logistic3A_101, %slice3A_112 : vector<1280x128xf32>
    %add3A_114 = arith.addf %slice3A_111, %mul3A_113 : vector<1280x128xf32>
    %tanh3A_115 = math.tanh %add3A_114 : vector<1280x128xf32>
    %sub3A_116 = arith.constant 1.000000e+00 : f32
    %sub3A_117 = vector.broadcast %sub3A_116 : f32 to vector<1280x128xf32>
    %sub3A_118 = arith.subf %sub3A_117, %logistic3A_110 : vector<1280x128xf32>
    %mul3A_119 = arith.mulf %sub3A_118, %tanh3A_115 : vector<1280x128xf32>
    %mul3A_120 = arith.mulf %logistic3A_110, %add3A_81 : vector<1280x128xf32>
    %add3A_121 = arith.addf %mul3A_119, %mul3A_120 : vector<1280x128xf32>
    %get3A_122 = arith.constant 0 : index
    %get3A_123 = arith.constant 0 : index
    %get3A_124 = vector.load %arg9[%get3A_122, %get3A_123] : memref<1x128xf32, #tpu.memory_space<vmem>>, vector<1x128xf32>
    %mul3A_125 = vector.broadcast %get3A_124 : vector<1x128xf32> to vector<1280x128xf32>
    %mul3A_126 = arith.mulf %add3A_121, %mul3A_125 : vector<1280x128xf32>
    %reduce_sum3A = arith.constant dense<0.000000e+00> : vector<1280xf32>
    %reduce_sum3A_127 = vector.multi_reduction <add>, %mul3A_126, %reduce_sum3A [1] : vector<1280x128xf32> to vector<1280xf32>
    %broadcast_in_dim3A = vector.shape_cast %reduce_sum3A_127 : vector<1280xf32> to vector<1280x1xf32>
    %ge3A = arith.constant 0.000000e+00 : f32
    %ge3A_128 = vector.broadcast %ge3A : f32 to vector<1280x1xf32>
    %ge3A_129 = arith.cmpf oge, %broadcast_in_dim3A, %ge3A_128 : vector<1280x1xf32>
    %mul3A_130 = arith.constant 0.00999999977 : f32
    %mul3A_131 = vector.broadcast %mul3A_130 : f32 to vector<1280x1xf32>
    %mul3A_132 = arith.mulf %mul3A_131, %broadcast_in_dim3A : vector<1280x1xf32>
    %select_n3A = arith.select %ge3A_129, %broadcast_in_dim3A, %mul3A_132 : vector<1280x1xi1>, vector<1280x1xf32>
    %exp3A = math.exp %select_n3A : vector<1280x1xf32>
    %jit3A = arith.constant 0.000000e+00 : f32
    %broadcast_in_dim3A_133 = vector.broadcast %jit3A : f32 to vector<1280x1xf32>
    %select_n3A_134 = arith.select %lt3A_0, %exp3A, %broadcast_in_dim3A_133 : vector<1280x1xf32>
    %mul3A_135 = vector.broadcast %select_n3A_134 : vector<1280x1xf32> to vector<1280x128xf32>
    %mul3A_136 = arith.mulf %add3A_121, %mul3A_135 : vector<1280x128xf32>
    %jit3A_137 = arith.constant 0.000000e+00 : f32
    %broadcast_in_dim3A_138 = vector.broadcast %jit3A_137 : f32 to vector<1280x128xf32>
    %select_n3A_139 = arith.select %lt3A_0, %mul3A_136, %broadcast_in_dim3A_138 : vector<1280x128xf32>
    %swap3A = arith.constant 0 : index
    %swap3A_140 = arith.constant 0 : index
    %swap3A_141 = vector.load %arg10[%swap3A, %swap3A_140] : memref<1280x128xf32, #tpu.memory_space<vmem>>, vector<1280x128xf32>
    tpu.vector_store %arg10[%swap3A, %swap3A_140], %select_n3A_139 {strides = array<i32>} : memref<1280x128xf32, #tpu.memory_space<vmem>>, vector<1280x128xf32>,
    %get3A_142 = arith.constant 0 : index
    %get3A_143 = arith.constant 0 : index
    %get3A_144 = vector.load %arg4[%get3A_142, %get3A_143] : memref<1280x1xi32, #tpu.memory_space<vmem>>, vector<1280x1xi32>
    %jit3A_145 = arith.constant 128 : i32
    %div3A = vector.broadcast %jit3A_145 : i32 to vector<1280x1xi32>
    %div3A_146 = arith.divsi %get3A_144, %div3A : vector<1280x1xi32>
    %sign3A = arith.constant 0 : i32
    %sign3A_147 = vector.broadcast %sign3A : i32 to vector<1280x1xi32>
    %sign3A_148 = arith.cmpi sgt, %get3A_144, %sign3A_147 : vector<1280x1xi32>
    %sign3A_149 = arith.extui %sign3A_148 : vector<1280x1xi1> to vector<1280x1xi32>
    %sign3A_150 = arith.constant 0 : i32
    %sign3A_151 = vector.broadcast %sign3A_150 : i32 to vector<1280x1xi32>
    %sign3A_152 = arith.cmpi slt, %get3A_144, %sign3A_151 : vector<1280x1xi32>
    %sign3A_153 = arith.extui %sign3A_152 : vector<1280x1xi1> to vector<1280x1xi32>
    %sign3A_154 = arith.subi %sign3A_149, %sign3A_153 : vector<1280x1xi32>
    %sign3A_155 = arith.constant 0 : i32
    %sign3A_156 = arith.cmpi sgt, %jit3A_145, %sign3A_155 : i32
    %sign3A_157 = arith.extui %sign3A_156 : i1 to i32
    %sign3A_158 = arith.constant 0 : i32
    %sign3A_159 = arith.cmpi slt, %jit3A_145, %sign3A_158 : i32
    %sign3A_160 = arith.extui %sign3A_159 : i1 to i32
    %sign3A_161 = arith.subi %sign3A_157, %sign3A_160 : i32
    %ne3A = vector.broadcast %sign3A_161 : i32 to vector<1280x1xi32>
    %ne3A_162 = arith.cmpi ne, %sign3A_154, %ne3A : vector<1280x1xi32>
    %rem3A = vector.broadcast %jit3A_145 : i32 to vector<1280x1xi32>
    %rem3A_163 = arith.remsi %get3A_144, %rem3A : vector<1280x1xi32>
    %ne3A_164 = arith.constant 0 : i32
    %ne3A_165 = vector.broadcast %ne3A_164 : i32 to vector<1280x1xi32>
    %ne3A_166 = arith.cmpi ne, %rem3A_163, %ne3A_165 : vector<1280x1xi32>
    %and3A = arith.andi %ne3A_162, %ne3A_166 : vector<1280x1xi1>
    %sub3A_167 = arith.constant 1 : i32
    %sub3A_168 = vector.broadcast %sub3A_167 : i32 to vector<1280x1xi32>
    %sub3A_169 = arith.subi %div3A_146, %sub3A_168 : vector<1280x1xi32>
    %select_n3A_170 = arith.select %and3A, %sub3A_169, %div3A_146 : vector<1280x1xi1>, vector<1280x1xi32>
    %mul3A_171 = arith.constant 128 : i32
    %mul3A_172 = vector.broadcast %mul3A_171 : i32 to vector<1280x1xi32>
    %mul3A_173 = arith.muli %select_n3A_170, %mul3A_172 : vector<1280x1xi32>
    %sub3A_174 = arith.subi %get3A_144, %mul3A_173 : vector<1280x1xi32>
    %iota3A = tpu.iota {dimensions = array<i32: 1>} : vector<1280x80xi32>
    %eq3A = vector.broadcast %select_n3A_170 : vector<1280x1xi32> to vector<1280x80xi32>
    %eq3A_175 = arith.cmpi eq, %iota3A, %eq3A : vector<1280x80xi32>
    %jit3A_176 = arith.constant 0.000000e+00 : f32
    %broadcast_in_dim3A_177 = vector.shape_cast %select_n3A_134 : vector<1280x1xf32> to vector<1280x1xf32>
    %broadcast_in_dim3A_178 = vector.broadcast %broadcast_in_dim3A_177 : vector<1280x1xf32> to vector<1280x80xf32>
    %broadcast_in_dim3A_179 = vector.broadcast %jit3A_176 : f32 to vector<1280x80xf32>
    %select_n3A_180 = arith.select %eq3A_175, %broadcast_in_dim3A_178, %broadcast_in_dim3A_179 : vector<1280x80xi1>, vector<1280x80xf32>
    %iota3A_181 = tpu.iota {dimensions = array<i32: 1>} : vector<1280x128xi32>
    %eq3A_182 = vector.broadcast %sub3A_174 : vector<1280x1xi32> to vector<1280x128xi32>
    %eq3A_183 = arith.cmpi eq, %iota3A_181, %eq3A_182 : vector<1280x128xi32>
    %jit3A_184 = arith.constant 1.000000e+00 : f32
    %jit3A_185 = arith.constant 0.000000e+00 : f32
    %broadcast_in_dim3A_186 = vector.broadcast %jit3A_184 : f32 to vector<1280x128xf32>
    %broadcast_in_dim3A_187 = vector.broadcast %jit3A_185 : f32 to vector<1280x128xf32>
    %select_n3A_188 = arith.select %eq3A_183, %broadcast_in_dim3A_186, %broadcast_in_dim3A_187 : vector<1280x128xi1>, vector<1280x128xf32>
    %dot_general3A_189 = arith.constant dense<0.000000e+00> : vector<80x128xf32>
    %dot_general3A_190 = tpu.matmul %select_n3A_180, %select_n3A_188, %dot_general3A_189 {dimension_numbers = #tpu.dot_dimension_numbers<[0], [0], [1], [1], [0, 1, 1, 1], [], []>, transpose_lhs_hint = false} : vector<1280x80xf32>, vector<1280x128xf32>, vector<80x128xf32> -> vector<80x128xf32>
    %eq3A_191 = arith.constant 0 : i32
    %eq3A_192 = arith.cmpi eq, %arg0, %eq3A_191 : i32
    %convert_element_type3A = arith.extui %eq3A_192 : i1 to i32
    %cond3A = arith.constant 0 : i32
    %cond3A_193 = arith.cmpi ne, %convert_element_type3A, %cond3A : i32
    scf.if %cond3A_193 {
      %broadcast_in_dim3A_201 = arith.constant 0.000000e+00 : f32
      %broadcast_in_dim3A_202 = vector.broadcast %broadcast_in_dim3A_201 : f32 to vector<80x128xf32>
      %swap3A_203 = arith.constant 0 : index
      %swap3A_204 = arith.constant 0 : index
      %swap3A_205 = vector.load %arg11[%swap3A_203, %swap3A_204] : memref<80x128xf32, #tpu.memory_space<vmem>>, vector<80x128xf32>
      tpu.vector_store %arg11[%swap3A_203, %swap3A_204], %broadcast_in_dim3A_202 {strides = array<i32>} : memref<80x128xf32, #tpu.memory_space<vmem>>, vector<80x128xf32>,
    } else {
    }
    %get3A_194 = arith.constant 0 : index
    %get3A_195 = arith.constant 0 : index
    %get3A_196 = vector.load %arg11[%get3A_194, %get3A_195] : memref<80x128xf32, #tpu.memory_space<vmem>>, vector<80x128xf32>
    %add3A_197 = arith.addf %get3A_196, %dot_general3A_190 : vector<80x128xf32>
    %swap3A_198 = arith.constant 0 : index
    %swap3A_199 = arith.constant 0 : index
    %swap3A_200 = vector.load %arg11[%swap3A_198, %swap3A_199] : memref<80x128xf32, #tpu.memory_space<vmem>>, vector<80x128xf32>
    tpu.vector_store %arg11[%swap3A_198, %swap3A_199], %add3A_197 {strides = array<i32>} : memref<80x128xf32, #tpu.memory_space<vmem>>, vector<80x128xf32>,
    return
  }
  func.func @transform_0(%arg0: i32) -> (i32, i32) {
    %min3A = arith.constant 124 : i32
    %min3A_0 = arith.minsi %arg0, %min3A : i32
    %c0_i32 = arith.constant 0 : i32
    %c0_i32_1 = arith.constant 0 : i32
    return %min3A_0, %c0_i32 : i32, i32
  }
  func.func @transform_1(%arg0: i32) -> (i32, i32) {
    %min3A = arith.constant 124 : i32
    %min3A_0 = arith.minsi %arg0, %min3A : i32
    %add3A = arith.constant 125 : i32
    %add3A_1 = arith.addi %min3A_0, %add3A : i32
    %c0_i32 = arith.constant 0 : i32
    %c0_i32_2 = arith.constant 0 : i32
    return %add3A_1, %c0_i32 : i32, i32
  }
  func.func @transform_2(%arg0: i32) -> (i32, i32) {
    %min3A = arith.constant 124 : i32
    %min3A_0 = arith.minsi %arg0, %min3A : i32
    %add3A = arith.constant 250 : i32
    %add3A_1 = arith.addi %min3A_0, %add3A : i32
    %c0_i32 = arith.constant 0 : i32
    %c0_i32_2 = arith.constant 0 : i32
    return %add3A_1, %c0_i32 : i32, i32
  }
  func.func @transform_3(%arg0: i32) -> (i32, i32) {
    %c0_i32 = arith.constant 0 : i32
    %c0_i32_0 = arith.constant 0 : i32
    return %arg0, %c0_i32 : i32, i32
  }
  func.func @transform_4(%arg0: i32) -> (i32, i32) {
    %c0_i32 = arith.constant 0 : i32
    %c0_i32_0 = arith.constant 0 : i32
    %c0_i32_1 = arith.constant 0 : i32
    return %c0_i32, %c0_i32_0 : i32, i32
  }
  func.func @transform_5(%arg0: i32) -> (i32, i32) {
    %c0_i32 = arith.constant 0 : i32
    %c0_i32_0 = arith.constant 0 : i32
    %c0_i32_1 = arith.constant 0 : i32
    return %c0_i32, %c0_i32_0 : i32, i32
  }
  func.func @transform_6(%arg0: i32) -> (i32, i32) {
    %c0_i32 = arith.constant 0 : i32
    %c0_i32_0 = arith.constant 0 : i32
    %c0_i32_1 = arith.constant 0 : i32
    return %c0_i32, %c0_i32_0 : i32, i32
  }
  func.func @transform_7(%arg0: i32) -> (i32, i32) {
    %c0_i32 = arith.constant 0 : i32
    %c0_i32_0 = arith.constant 0 : i32
    %c0_i32_1 = arith.constant 0 : i32
    return %c0_i32, %c0_i32_0 : i32, i32
  }
  func.func @transform_8(%arg0: i32) -> (i32, i32) {
    %c0_i32 = arith.constant 0 : i32
    %c0_i32_0 = arith.constant 0 : i32
    %c0_i32_1 = arith.constant 0 : i32
    return %c0_i32, %c0_i32_0 : i32, i32
  }
  func.func @transform_9(%arg0: i32) -> (i32, i32) {
    %c0_i32 = arith.constant 0 : i32
    %c0_i32_0 = arith.constant 0 : i32
    return %arg0, %c0_i32 : i32, i32
  }
  func.func @transform_10(%arg0: i32) -> (i32, i32) {
    %c0_i32 = arith.constant 0 : i32
    %c0_i32_0 = arith.constant 0 : i32
    %c0_i32_1 = arith.constant 0 : i32
    return %c0_i32, %c0_i32_0 : i32, i32
  }
}

module attributes {stable_mosaic.version = 14 : i64} {
  func.func @_norm_body(%arg0: i32, %arg1: memref<2x400x128xf32, #tpu.memory_space<vmem>>, %arg2: memref<400x1xf32, #tpu.memory_space<vmem>>, %arg3: memref<400x128xf32, #tpu.memory_space<vmem>>) attributes {dimension_semantics = [#tpu.dimension_semantics<arbitrary>], iteration_bounds = array<i64: 25>, scalar_prefetch = 0 : i64, scratch_operands = 0 : i64, tpu.core_type = #tpu.core_type<tc>, window_params = [{transform_indices = @transform_0, window_bounds = array<i64: 2, 400, 128>}, {transform_indices = @transform_1, window_bounds = array<i64: 400, 1>}, {transform_indices = @transform_2, window_bounds = array<i64: 400, 128>}]} {
    %get3A = arith.constant 0 : index
    %get3A_0 = arith.constant 0 : index
    %get3A_1 = arith.constant 0 : index
    %get3A_2 = vector.load %arg1[%get3A, %get3A_0, %get3A_1] : memref<2x400x128xf32, #tpu.memory_space<vmem>>, vector<2x400x128xf32>
    %slice3A = vector.extract_strided_slice %get3A_2 {offsets = [0, 0, 0], sizes = [1, 400, 128], strides = [1, 1, 1]} : vector<2x400x128xf32> to vector<1x400x128xf32>
    %squeeze3A = vector.shape_cast %slice3A : vector<1x400x128xf32> to vector<400x128xf32>
    %slice3A_3 = vector.extract_strided_slice %get3A_2 {offsets = [1, 0, 0], sizes = [1, 400, 128], strides = [1, 1, 1]} : vector<2x400x128xf32> to vector<1x400x128xf32>
    %squeeze3A_4 = vector.shape_cast %slice3A_3 : vector<1x400x128xf32> to vector<400x128xf32>
    %add3A = arith.addf %squeeze3A, %squeeze3A_4 : vector<400x128xf32>
    %get3A_5 = arith.constant 0 : index
    %get3A_6 = arith.constant 0 : index
    %get3A_7 = vector.load %arg2[%get3A_5, %get3A_6] : memref<400x1xf32, #tpu.memory_space<vmem>>, vector<400x1xf32>
    %gt3A = arith.constant 0.000000e+00 : f32
    %gt3A_8 = vector.broadcast %gt3A : f32 to vector<400x1xf32>
    %gt3A_9 = arith.cmpf ogt, %get3A_7, %gt3A_8 : vector<400x1xf32>
    %div3A = vector.broadcast %get3A_7 : vector<400x1xf32> to vector<400x128xf32>
    %div3A_10 = arith.divf %add3A, %div3A : vector<400x128xf32>
    %jit3A = arith.constant 0.000000e+00 : f32
    %broadcast_in_dim3A = vector.shape_cast %gt3A_9 : vector<400x1xi1> to vector<400x1xi1>
    %broadcast_in_dim3A_11 = vector.broadcast %broadcast_in_dim3A : vector<400x1xi1> to vector<400x128xi1>
    %broadcast_in_dim3A_12 = vector.broadcast %jit3A : f32 to vector<400x128xf32>
    %select_n3A = arith.select %broadcast_in_dim3A_11, %div3A_10, %broadcast_in_dim3A_12 : vector<400x128xi1>, vector<400x128xf32>
    %swap3A = arith.constant 0 : index
    %swap3A_13 = arith.constant 0 : index
    %swap3A_14 = vector.load %arg3[%swap3A, %swap3A_13] : memref<400x128xf32, #tpu.memory_space<vmem>>, vector<400x128xf32>
    tpu.vector_store %arg3[%swap3A, %swap3A_13], %select_n3A {strides = array<i32>} : memref<400x128xf32, #tpu.memory_space<vmem>>, vector<400x128xf32>,
    return
  }
  func.func @transform_0(%arg0: i32) -> (i32, i32, i32) {
    %c0_i32 = arith.constant 0 : i32
    %c0_i32_0 = arith.constant 0 : i32
    %c0_i32_1 = arith.constant 0 : i32
    return %c0_i32, %arg0, %c0_i32_0 : i32, i32, i32
  }
  func.func @transform_1(%arg0: i32) -> (i32, i32) {
    %c0_i32 = arith.constant 0 : i32
    %c0_i32_0 = arith.constant 0 : i32
    return %arg0, %c0_i32 : i32, i32
  }
  func.func @transform_2(%arg0: i32) -> (i32, i32) {
    %c0_i32 = arith.constant 0 : i32
    %c0_i32_0 = arith.constant 0 : i32
    return %arg0, %c0_i32 : i32, i32
  }
}

</mosaic_0001>

<sc_bundles>
// kernel: kernel.6.cloned.1.call-start
scs
__scs_entry_jumppad:
0x0: {  	(pc) =	sbr.rel $0x88, $3  }
0x1: {  	(tag) =	ssettag $0x0;
	lr =	simm.s32 $0x1  }
0x2: {  	[smem:$0x3F99] =	sst lr;
	_ =	strace $0xD0000000  }
0x3: {  	_ = 	snop  }
0x4: {  	_ = 	snop  }
0x5: {  	_ = 	snop  }
0x6: {  	_ = 	snop  }
0x7: {  	_ = 	snop  }
__scs_overlays_trampoline_lowered:
0x8: {  	[smem:$0x3FA8] =	sst s0  }
0x9: {  	[smem:$0x3FA9] =	sst s1  }
0xa: {  	[smem:$0x3FAA] =	sst s2  }
0xb: {  	[smem:$0x3FAB] =	sst s3  }
0xc: {  	[smem:$0x3FAC] =	sst s4  }
0xd: {  	[smem:$0x3FAD] =	sst s5  }
0xe: {  	[smem:$0x3FAE] =	sst s6  }
0xf: {  	[smem:$0x3FAF] =	sst s7  }
0x10: {  	[smem:$0x3FB0] =	sst s8  }
0x11: {  	[smem:$0x3FB1] =	sst s9;
	s0 =	simm.s32 @!p0 $0x0  }
0x12: {  	s1 =	sld [smem:$0x3F97];
	s0 =	simm.s32 @p0 $0x1  }
0x13: {  	[smem:$0x3FB2] =	sst s0;
	s0 =	simm.s32 @!p1 $0x0  }
0x14: {  	s2 =	sld [smem:$0x3F96];
	s0 =	simm.s32 @p1 $0x1  }
0x15: {  	[smem:$0x3FB3] =	sst s0;
	s0 =	simm.s32 @!p2 $0x0  }
0x16: {  	s3 =	sld [smem:$0x3FDB];
	s0 =	simm.s32 @p2 $0x1  }
0x17: {  	s4 =	simm.s32 $0x1BF5;
	[smem:$0x3FB5] =	sst s0  }
0x18: {  	s0 =	sld [smem:$0x3F98];
	_ =	swait.ge [sflag:s4], $0x0  }
0x19: {  	s7 =	sld [smem:$0x3F99]  }
0x1a: {  	s8 =	sadd.s32 $0xFFFFE003, lr  }
0x1b: {  	s9 =	sadd.s32 $0xFFFFFEF7, lr;
	s5 =	simm.s32 $0xFFFFFFFF;
	p2 =	slt.u32 s8, $0xFFFFF086  }
0x1c: {  	p1 =	slt.u32 s9, $0xF7A;
	s5 =	simm.s32 @!p2 $0x0  }
0x1d: {  	s5 =	simm.s32 @p1 $0x1;
	p0 =	seq.s32 s7, s2  }
0x1e: {  	s7 =	smul.u32 @!p0 $0xF7A, s2;
	p2 =	seq.s32 @!p0 s5, $0x0  }
0x1f: {  	s9 =	smul.u32 $0xF7A, s1;
	s8 =	simm.s32 @!p0 $0x1BF5;
	p2 =	por !p2, p0  }
0x20: {  	[sflag:s8] =	ssyncset.s32 @!p0 $0xFFFFF086;
	s6 =	sadd.s32 @!p0 s3, s7;
	s7 =	simm.s32 @!p0 $0x108  }
0x21: {  	s3 =	sadd.s32 s3, s9;
	s6 =	sadd.s32 @!p0 $0x88, s6;
	s7 =	simm.s32 @p2 $0x1082  }
0x22: {  	[simem:s7], [sflag:s8] =	dma.local @!p0 [hbm:s6], $0xF7A  }
0x23: {  	s9 =	sor.u32 $0xD0000000, s2;
	s6 =	simm.s32 $0x108;
	_ =	swait.ge @!p0 [sflag:s8], $0x0  }
0x24: {  	s3 =	sadd.s32 $0x88, s3;
	s6 =	simm.s32 @!p1 $0x1082;
	[sflag:s4] =	ssyncset.s32 $0xFFFFF086  }
0x25: {  	[simem:s6], [sflag:s4] =	dma.local [hbm:s3], $0xF7A  }
0x26: {  	[smem:$0x3F99] =	sst s1;
	(tag) =	ssettag s2;
	_ =	strace s9  }
0x27: {  	s1 =	sld [smem:$0x3FA9]  }
0x28: {  	s2 =	sld [smem:$0x3FAA]  }
0x29: {  	s4 =	sld [smem:$0x3FAC]  }
0x2a: {  	p0 =	seq.s32 s5, $0x0;
	s5 =	sld [smem:$0x3FAD]  }
0x2b: {  	s6 =	sld [smem:$0x3FAE]  }
0x2c: {  	s7 =	sld [smem:$0x3FAF]  }
0x2d: {  	s3 =	simm.s32 $0x108;
	s8 =	sld [smem:$0x3FB0]  }
0x2e: {  	s3 =	simm.s32 @!p0 $0x1082;
	s9 =	sld [smem:$0x3FB1]  }
0x2f: {  	lr =	sadd.s32 s0, s3;
	s0 =	sld [smem:$0x3FA8]  }
0x30: {  	s3 =	sld [smem:$0x3FAB]  }
0x31: {  	[smem:$0x3FB4] =	sst s10  }
0x32: {  	s10 =	sld [smem:$0x3FB2];
	_ =	sdelay $0x3  }
0x33: {  	p0 =	seq.s32 s10, $0x1;
	s10 =	sld [smem:$0x3FB4];
	_ =	sdelay $0x3  }
0x34: {  	[smem:$0x3FB4] =	sst s10  }
0x35: {  	s10 =	sld [smem:$0x3FB3];
	_ =	sdelay $0x3  }
0x36: {  	p1 =	seq.s32 s10, $0x1;
	s10 =	sld [smem:$0x3FB4];
	_ =	sdelay $0x3  }
0x37: {  	[smem:$0x3FB4] =	sst s10  }
0x38: {  	s10 =	sld [smem:$0x3FB5]  }
0x39: {  	_ = 	snop;
	(pc) =	sbr.ind lr, $3  }
0x3a: {  	_ = 	snop  }
0x3b: {  	_ = 	snop  }
0x3c: {  	p2 =	seq.s32 s10, $0x1;
	s10 =	sld [smem:$0x3FB4]  }
0x3d: {  	_ =	shalt  }
0x3e: {  	_ =	shalt  }
0x3f: {  	_ =	shalt  }
0x40: {  	_ =	shalt  }
0x41: {  	_ =	shalt  }
0x42: {  	_ =	shalt  }
0x43: {  	_ =	shalt  }
0x44: {  	_ =	shalt  }
0x45: {  	_ =	shalt  }
0x46: {  	_ =	shalt  }
0x47: {  	_ =	shalt  }
0x48: {  	_ =	shalt  }
0x49: {  	_ =	shalt  }
0x4a: {  	_ =	shalt  }
0x4b: {  	_ =	shalt  }
0x4c: {  	_ =	shalt  }
0x4d: {  	_ =	shalt  }
0x4e: {  	_ =	shalt  }
0x4f: {  	_ =	shalt  }
0x50: {  	_ =	shalt  }
0x51: {  	_ =	shalt  }
0x52: {  	_ =	shalt  }
0x53: {  	_ =	shalt  }
0x54: {  	_ =	shalt  }
0x55: {  	_ =	shalt  }
0x56: {  	_ =	shalt  }
0x57: {  	_ =	shalt  }
0x58: {  	_ =	shalt  }
0x59: {  	_ =	shalt  }
0x5a: {  	_ =	shalt  }
0x5b: {  	_ =	shalt  }
0x5c: {  	_ =	shalt  }
0x5d: {  	_ =	shalt  }
0x5e: {  	_ =	shalt  }
0x5f: {  	_ =	shalt  }
0x60: {  	_ =	shalt  }
0x61: {  	_ =	shalt  }
0x62: {  	_ =	shalt  }
0x63: {  	_ =	shalt  }
0x64: {  	_ =	shalt  }
0x65: {  	_ =	shalt  }
0x66: {  	_ =	shalt  }
0x67: {  	_ =	shalt  }
0x68: {  	_ =	shalt  }
0x69: {  	_ =	shalt  }
0x6a: {  	_ =	shalt  }
0x6b: {  	_ =	shalt  }
0x6c: {  	_ =	shalt  }
0x6d: {  	_ =	shalt  }
0x6e: {  	_ =	shalt  }
0x6f: {  	_ =	shalt  }
0x70: {  	_ =	shalt  }
0x71: {  	_ =	shalt  }
0x72: {  	_ =	shalt  }
0x73: {  	_ =	shalt  }
0x74: {  	_ =	shalt  }
0x75: {  	_ =	shalt  }
0x76: {  	_ =	shalt  }
0x77: {  	_ =	shalt  }
0x78: {  	_ =	shalt  }
0x79: {  	_ =	shalt  }
0x7a: {  	_ =	shalt  }
0x7b: {  	_ =	shalt  }
0x7c: {  	_ =	shalt  }
0x7d: {  	_ =	shalt  }
0x7e: {  	_ =	shalt  }
0x7f: {  	_ =	shalt  }
0x80: {  	_ =	shalt  }
0x81: {  	_ =	shalt  }
0x82: {  	_ =	shalt  }
0x83: {  	_ =	shalt  }
0x84: {  	_ =	shalt  }
0x85: {  	_ =	shalt  }
0x86: {  	_ =	shalt  }
0x87: {  	_ =	shalt  }
.Lfunc_end0:
.L_simem_size_0:
called_computation_lowered:
.L_overlay_start_0:
0x88: {  	s2 =	sld [smem:$0x3FD9]  }
0x89: {  	s3 =	sld [smem:$0x3FFE];
	_ =	sdelay $0x1  }
0x8a: {  	s1 =	srdreg.scid  }
0x8b: {  	s0 =	sand.u32 $0x1, s1  }
0x8c: {  	s17 =	sshll.u32 s0, $0xA;
	s2 =	sadd.s32 s3, s2  }
0x8d: {  	s2 =	sadd.s32 s2, s17  }
0x8e: {  	[smem:$0x3FC0] =	sst s2  }
0x8f: {  	_ = 	snop  }
0x90: {  	s2 =	sld [smem:$0x3FC9]  }
0x91: {  	s18 =	sld [smem:$0x3FD0];
	(tm) =	ssettm $0x1  }
0x92: {  	s4 =	sld [smem:$0x3FFB];
	_ =	sdelay $0x3  }
0x93: {  	_ =	strace s4  }
0x94: {  	s4 =	sld [smem:$0x3FFC];
	_ =	sdelay $0x3  }
0x95: {  	_ =	strace s4  }
0x96: {  	s4 =	sld [smem:$0x3FFD];
	_ =	sdelay $0x3  }
0x97: {  	_ =	strace s4  }
0x98: {  	_ =	strace $0x8FFFFFFF  }
0x99: {  	s19 =	sld [smem:$0x3FDB];
	_ =	sdelay $0x1  }
0x9a: {  	s5 =	simm.s32 $_scs_section_size  }
0x9b: {  	s6 =	simm.s32 $_size__tile_overlayer_lowered;
	s7 =	simm.s32 $_tile_overlayer_lowered  }
0x9c: {  	s22 =	simm.s32 $0x1BFF;
	s21 =	sshll.u32 s7, $0x1;
	s4 =	sadd.s32 s5, s19  }
0x9d: {  	s8 =	simm.s32 $0x0;
	s20 =	sshll.u32 s6, $0x1;
	s6 =	sadd.s32 s21, s4  }
0x9e: {  	[timem:s8], [sflag:s22] =	dma.local [hbm:s6], s20  }
0x9f: {  	_ =	swait.ge [sflag:s22], s20  }
0xa0: {  	s5 =	ssub.s32 $0x0, s20;
	[sflag:s22] =	ssyncset.done $0x0  }
0xa1: {  	[sflag:s22] =	ssyncadd.s32 s5;
	_ =	sdelay $0x1  }
0xa2: {  	s23 =	simm.s32 $0x1B8B  }
0xa3: {  	_ =	swait.ge [sflag:s23], $0x1  }
0xa4: {  	[sflag:s23] =	ssyncset.done $0x0  }
0xa5: {  	s25 =	simm.s32 $0x1B8E;
	s24 =	sld [smem:$0x3FFE];
	[sflag:s23] =	ssyncadd.s32 $0xFFFFFFFF  }
0xa6: {  	s26 =	simm.s32 $execute0_lowered;
	[smem:$0x3FD2] =	sst s25  }
0xa7: {  	s6 =	sshll.u32 s26, $0x1;
	_ =	strace $0x80000046;
	[dreg:$0x1] =	wrdreg $0xFFFFFFFF  }
0xa8: {  	s28 =	simm.s32 $_size_execute0_lowered;
	s4 =	sadd.s32 s4, s6;
	[dreg:$0x0] =	wrdreg $0x0  }
0xa9: {  	s6 =	sshll.u32 s28, $0x1;
	[dreg:$0x2] =	wrdreg s4  }
0xaa: {  	[dreg:$0x3] =	wrdreg s6  }
0xab: {  	[dreg:$0x4] =	wrdreg $0xC0  }
0xac: {  	_ =	task [dreg:s8], $0x5FFFF  }
0xad: {  	[dreg:$0x1] =	wrdreg $0xFFFFFFFF  }
0xae: {  	[dreg:$0x0] =	wrdreg $0x60  }
0xaf: {  	[dreg:$0x2] =	wrdreg s2  }
0xb0: {  	[dreg:$0x3] =	wrdreg s18  }
0xb1: {  	[dreg:$0x4] =	wrdreg s24  }
0xb2: {  	[dreg:$0x5] =	wrdreg $0x9  }
0xb3: {  	_ =	task.clear_ibuf [dreg:s8], $0x6FFFF;
	_ =	strace $0x90000046  }
0xb4: {  	s29 =	simm.s32 $0x9;
	_ =	strace $0x80000048  }
0xb5: {  	_ =	swait.ge [sflag:s29], $0x1  }
0xb6: {  	[sflag:s29] =	ssyncadd.s32 $0xFFFFFFFF  }
0xb7: {  	_ =	strace $0x90000048  }
0xb8: {  	_ =	sfence  }
0xb9: {  	s30 =	sld [smem:$0x0];
	_ =	sdelay $0x2  }
0xba: {  	s31 =	sshll.u32 s1, $0xD;
	s1 =	sshrl.u32 s1, $0x2  }
0xbb: {  	s3 =	sand.u32 $0x4000, s31;
	s1 =	sadd.s32 s1, s30  }
0xbc: {  	s0 =	sor.u32 s3, s0;
	s1 =	sshll.u32 s1, $0x11  }
0xbd: {  	s0 =	sor.u32 s1, s0  }
0xbe: {  	s0 =	sadd.s32 $0x8F2B, s0  }
0xbf: {  	[sflag:s0] =	ssyncadd.remote.s32 $0x1  }
0xc0: {  	_ =	sfence.sel $0xFFFF  }
0xc1: {  	[dreg:$0x0] =	wrdreg $0xFFFFFFFF;
	(pc) =	sbr.abs _section_cstart, $3  }
0xc2: {  	[dreg:$0x1] =	wrdreg $0xFFFFFFFF  }
0xc3: {  	_ =	task.clear_ibuf [dreg:s8], $0x2FFFF;
	_ =	strace $0x9FFFFFFF  }
0xc4: {  	(tm) =	ssettm $0x7FFFFFFF  }
0xc5: {  	_ =	shalt  }
tec
execute0_lowered:
.L_overlay_start_1:
0x0: {  	(tag) =	ssettag $0x1  }
0x1: {  	s1 =	rddreg [dreg:$0x0]  }
0x2: {  	s4 =	rddreg [dreg:$0x1]  }
0x3: {  	s5 =	rddreg [dreg:$0x2]  }
0x4: {  	s0 =	rddreg [dreg:$0x3];
	s6 =	srdreg.scid  }
0x5: {  	s2 =	stileid.u32;
	s3 =	simm.s32 $0x0;
	s12 =	simm.s32 $0x100  }
0x6: {  	s13 =	simm.s32 $0xBC00;
	s14 =	simm.s32 $0x1;
	s15 =	simm.s32 $0x2  }
0x7: {  	s16 =	simm.s32 $0xFC00;
	s6 =	sand.u32 $0x1, s6;
	s7 =	sshll.u32 s2, $0x1  }
0x8: {  	s17 =	simm.s32 $0x0;
	s30 =	smul.u32 $0x78000, s2;
	s7 =	sor.u32 s6, s7  }
0x9: {  	[smem:$0x7FF] =	sst s3;
	s10 =	sadd.s32 $0x1600, s5;
	s9 =	smul.u32 $0x1E0000, s7  }
0xa: {  	_ =	strace $0x80000047;
	s8 =	ssub.s32 $0x2, s6;
	s7 =	smul.u32 $0x3C00, s7  }
0xb: {  	s11 =	smul.u32 $0x3C000, s6;
	s28 =	sshrl.u32 s8, $0x1;
	s31 =	sadd.s32 s30, s10  }
0xc: {  	s8 =	ssub.s32 s8, s28;
	s29 =	sshrl.u32 s9, $0x3;
	s7 =	sshrl.u32 s7, $0x3  }
0xd: {  	s6 =	smax.u32 s8, $0x1;
	s8 =	simm.s32 $0x3;
	s9 =	simm.s32 $0x80  }
0xe: {  	s5 =	sadd.s32 s10, s29;
	s4 =	sadd.s32 s4, s7;
	s7 =	sadd.s32 s11, s31  }
0xf: {  	s10 =	simm.s32 $0x3C00;
	s11 =	simm.s32 $0x7C00;
	s5 =	sadd.s32 $0x3A800, s5  }
.LBB2_1:
0x10: {  	[tilespmem:s3], [sflag:$0x3] =	stream.linear.gather [hbm4b:s4+s3], $0x3C00, $0x38;
	[tilespmem:$0x1BC00] =	vst v63  }
0x11: {  	_ =	swait.ge [sflag:s8], $0x3C00  }
0x12: {  	[sflag:s8] =	ssyncset.done $0x0  }
0x13: {  	[sflag:s8] =	ssyncadd.s32 $0xFFFFC400  }
0x14: {  	[tilespmem:s10], [sflag:$0x1] =	stream.indirect.gather [hbm4b:s1+s9], $0x80, s3, s9, $0xb8;
	[tilespmem:$0x1BC00] =	vst v63  }
0x15: {  	_ = 	snop  }
0x16: {  	[tilespmem:s11], [sflag:$0x1] =	stream.indirect.gather [hbm4b:s1+s9], $0x80, s9, s9, $0xb8;
	[tilespmem:$0x1BC00] =	vst v63  }
0x17: {  	_ = 	snop  }
0x18: {  	[tilespmem:s13], [sflag:$0x1] =	stream.indirect.gather [hbm4b:s1+s9], $0x80, s12, s9, $0xb8;
	[tilespmem:$0x1BC00] =	vst v63  }
0x19: {  	_ =	swait.ge [sflag:s14], $0x4000  }
0x1a: {  	[sflag:s14] =	ssyncset.done $0x0  }
0x1b: {  	[sflag:s14] =	ssyncadd.s32 $0xFFFFC000  }
0x1c: {  	_ =	swait.ge [sflag:s14], $0x4000  }
0x1d: {  	s18 =	sand.u32 $0x1, s3;
	[sflag:s14] =	ssyncset.done $0x0  }
0x1e: {  	s19 =	smul.u32 $0x30000, s18;
	s18 =	sxor.u32 $0x1, s18;
	[sflag:s14] =	ssyncadd.s32 $0xFFFFC000  }
0x1f: {  	s18 =	smul.u32 $0x30000, s18;
	_ =	swait.ge [sflag:s14], $0x4000  }
0x20: {  	s19 =	sshrl.u32 s19, $0x2;
	[sflag:s14] =	ssyncset.done $0x0  }
0x21: {  	s19 =	sor.u32 $0x3C00, s19;
	s18 =	sshrl.u32 s18, $0x2;
	[sflag:s14] =	ssyncadd.s32 $0xFFFFC000  }
0x22: {  	[hbm4b:s7+s3] =	stream.linear.scatter [tilespmem:s19], [sflag:$0x2], $0xC000, $0x38;
	[tilespmem:$0x1BC00] =	vst v63  }
0x23: {  	s20 =	simm.s32 $0x180;
	s26 =	sor.u32 $0x3C00, s18  }
0x24: {  	[tilespmem:s26], [sflag:$0x1] =	stream.indirect.gather [hbm4b:s1+s9], $0x80, s20, s9, $0xb8;
	[tilespmem:$0x1BC00] =	vst v63  }
0x25: {  	s29 =	simm.s32 $0x200;
	s28 =	sadd.s32 $0x7C00, s18  }
0x26: {  	[tilespmem:s28], [sflag:$0x1] =	stream.indirect.gather [hbm4b:s1+s9], $0x80, s29, s9, $0xb8;
	[tilespmem:$0x1BC00] =	vst v63  }
0x27: {  	s30 =	simm.s32 $0x280;
	s18 =	sadd.s32 $0xBC00, s18  }
0x28: {  	[tilespmem:s18], [sflag:$0x1] =	stream.indirect.gather [hbm4b:s1+s9], $0x80, s30, s9, $0xb8;
	[tilespmem:$0x1BC00] =	vst v63  }
0x29: {  	_ =	swait.ge [sflag:s14], $0x4000  }
0x2a: {  	[sflag:s14] =	ssyncset.done $0x0  }
0x2b: {  	[sflag:s14] =	ssyncadd.s32 $0xFFFFC000  }
0x2c: {  	_ =	swait.ge [sflag:s14], $0x4000  }
0x2d: {  	[sflag:s14] =	ssyncset.done $0x0  }
0x2e: {  	[sflag:s14] =	ssyncadd.s32 $0xFFFFC000  }
0x2f: {  	s31 =	simm.s32 $0x1;
	_ =	swait.ge [sflag:s14], $0x4000  }
0x30: {  	s19 =	sadd.s32 $0x1800, s7;
	s18 =	sand.u32 $0x1, s31;
	[sflag:s14] =	ssyncset.done $0x0  }
0x31: {  	s22 =	smul.u32 $0x30000, s18;
	s18 =	sxor.u32 $0x1, s18;
	[sflag:s14] =	ssyncadd.s32 $0xFFFFC000  }
0x32: {  	s20 =	simm.s32 $0x2;
	s21 =	smul.u32 $0x30000, s18;
	_ =	swait.ge [sflag:s15], $0xC000  }
0x33: {  	s18 =	simm.s32 $0x400;
	s22 =	sshrl.u32 s22, $0x2;
	[sflag:s15] =	ssyncset.done $0x0  }
.LBB2_2:
0x34: {  	s22 =	sor.u32 $0x3C00, s22  }
0x35: {  	s21 =	sshrl.u32 s21, $0x2;
	[sflag:s15] =	ssyncadd.s32 $0xFFFF4000;
	s23 =	smov.u32 s20  }
0x36: {  	[hbm4b:s19+s3] =	stream.linear.scatter [tilespmem:s22], [sflag:$0x2], $0xC000, $0x38;
	[tilespmem:$0x1BC00] =	vst v63  }
0x37: {  	s24 =	sadd.s32 $0x1, s20;
	s25 =	sadd.s32 $0xFFFFFF00, s18;
	s22 =	sor.u32 $0x3C00, s21  }
0x38: {  	[tilespmem:s22], [sflag:$0x1] =	stream.indirect.gather [hbm4b:s1+s9], $0x80, s25, s9, $0xb8;
	[tilespmem:$0x1BC00] =	vst v63  }
0x39: {  	p0 =	sne.s32 s20, $0x26;
	s20 =	sadd.s32 $0x7C00, s21;
	s22 =	sadd.s32 $0xFFFFFF80, s18  }
0x3a: {  	[tilespmem:s20], [sflag:$0x1] =	stream.indirect.gather [hbm4b:s1+s9], $0x80, s22, s9, $0xb8;
	[tilespmem:$0x1BC00] =	vst v63  }
0x3b: {  	s20 =	sadd.s32 $0xBC00, s21  }
0x3c: {  	[tilespmem:s20], [sflag:$0x1] =	stream.indirect.gather [hbm4b:s1+s9], $0x80, s18, s9, $0xb8;
	[tilespmem:$0x1BC00] =	vst v63  }
0x3d: {  	_ =	swait.ge [sflag:s14], $0x4000  }
0x3e: {  	[sflag:s14] =	ssyncset.done $0x0  }
0x3f: {  	[sflag:s14] =	ssyncadd.s32 $0xFFFFC000  }
0x40: {  	_ =	swait.ge [sflag:s14], $0x4000  }
0x41: {  	[sflag:s14] =	ssyncset.done $0x0  }
0x42: {  	[sflag:s14] =	ssyncadd.s32 $0xFFFFC000  }
.Ltmp0:
0x43: {  	_ =	swait.ge [sflag:s14], $0x4000;
	(pc) =	sbr.rel @p0 .LBB2_2-.Ltmp0, $4  }
0x44: {  	s19 =	sadd.s32 $0x1800, s19;
	s20 =	sand.u32 $0x1, s23;
	[sflag:s14] =	ssyncset.done $0x0  }
0x45: {  	s22 =	smul.u32 $0x30000, s20;
	s20 =	sxor.u32 $0x1, s20;
	[sflag:s14] =	ssyncadd.s32 $0xFFFFC000  }
0x46: {  	s18 =	sadd.s32 $0x180, s18;
	s21 =	smul.u32 $0x30000, s20;
	_ =	swait.ge [sflag:s15], $0xC000  }
0x47: {  	s20 =	smov.u32 s24;
	s22 =	sshrl.u32 s22, $0x2;
	[sflag:s15] =	ssyncset.done $0x0  }
0x48: {  	s20 =	sor.u32 $0x3C00, s22;
	s21 =	sshrl.u32 s21, $0x2;
	[sflag:s15] =	ssyncadd.s32 $0xFFFF4000  }
0x49: {  	[hbm4b:s19+s3] =	stream.linear.scatter [tilespmem:s20], [sflag:$0x2], $0xC000, $0x38;
	[tilespmem:$0x1BC00] =	vst v63  }
0x4a: {  	s28 =	sadd.s32 $0xFFFFFF00, s18;
	s26 =	sor.u32 $0x3C00, s21  }
0x4b: {  	[tilespmem:s26], [sflag:$0x1] =	stream.indirect.gather [hbm4b:s1+s9], $0x80, s28, s9, $0xb8;
	[tilespmem:$0x1BC00] =	vst v63  }
0x4c: {  	s30 =	sadd.s32 $0xFFFFFF80, s18;
	s29 =	sadd.s32 $0x7C00, s21  }
0x4d: {  	[tilespmem:s29], [sflag:$0x1] =	stream.indirect.gather [hbm4b:s1+s9], $0x80, s30, s9, $0xb8;
	[tilespmem:$0x1BC00] =	vst v63  }
0x4e: {  	s31 =	sadd.s32 $0xBC00, s21  }
0x4f: {  	[tilespmem:s31], [sflag:$0x1] =	stream.indirect.gather [hbm4b:s1+s9], $0x80, s18, s9, $0xb8;
	[tilespmem:$0x1BC00] =	vst v63  }
0x50: {  	_ =	swait.ge [sflag:s14], $0x4000  }
0x51: {  	[sflag:s14] =	ssyncset.done $0x0  }
0x52: {  	[sflag:s14] =	ssyncadd.s32 $0xFFFFC000  }
0x53: {  	_ =	swait.ge [sflag:s14], $0x4000  }
0x54: {  	[sflag:s14] =	ssyncset.done $0x0  }
0x55: {  	[sflag:s14] =	ssyncadd.s32 $0xFFFFC000  }
0x56: {  	_ =	swait.ge [sflag:s14], $0x4000  }
0x57: {  	[sflag:s14] =	ssyncset.done $0x0  }
0x58: {  	[sflag:s14] =	ssyncadd.s32 $0xFFFFC000  }
0x59: {  	s17 =	sadd.s32 $0x1, s17;
	_ =	swait.ge [sflag:s15], $0xC000  }
0x5a: {  	p0 =	sne.s32 s17, s6;
	[sflag:s15] =	ssyncset.done $0x0  }
.Ltmp1:
0x5b: {  	[sflag:s15] =	ssyncadd.s32 $0xFFFF4000;
	(pc) =	sbr.rel @p0 .LBB2_1-.Ltmp1, $4  }
0x5c: {  	[hbm4b:s5+s3] =	stream.linear.scatter [tilespmem:s16], [sflag:$0x3], $0xC000, $0x38;
	[tilespmem:$0x1BC00] =	vst v63  }
0x5d: {  	_ =	swait.ge [sflag:s8], $0xC000  }
0x5e: {  	[sflag:s8] =	ssyncset.done $0x0  }
0x5f: {  	[sflag:s8] =	ssyncadd.s32 $0xFFFF4000  }
0x60: {  	_ =	sfence.sel $0x180000  }
0x61: {  	[bflag:$0x0] =	sbarrier.arrive $0xFFFF  }
0x62: {  	p0 =	sne.s32 s2, $0x0;
	_ =	strace $0x90000047  }
0x63: {  	s0 =	sadd.s32 @!p0 $0x100000, s0;
	[bflag:$0x2] =	sbarrier.arrive $0xFFFF  }
0x64: {  	[sflag:s0] =	ssyncadd.tile.s32 @!p0 $0x1;
	_ =	shalt  }
.Lfunc_end2:
_tile_overlayer_lowered:
.L_overlay_start_2:
0x65: {  	(tag) =	ssettag $0x2  }
0x66: {  	s0 =	rddreg [dreg:$0x0];
	s2 =	stileid.u32  }
0x67: {  	s1 =	rddreg [dreg:$0x1];
	p0 =	sne.s32 s2, $0x0  }
0x68: {  	s3 =	rddreg [dreg:$0x2];
	[bflag:$0x3] =	sbarrier.arrive $0xFFFF;
	s2 =	simm.s32 @!p0 $0x1C03  }
0x69: {  	[timem:s3], [sflag:s2] =	dma.local @!p0 [hbm:s0], s1  }
0x6a: {  	s0 =	simm.s32 @!p0 $0x3  }
0x6b: {  	_ =	swait.ge @!p0 [sflag:s0], s1  }
0x6c: {  	s1 =	ssub.s32 @!p0 $0x0, s1;
	[sflag:s0] =	ssyncset.done @!p0 $0x0  }
0x6d: {  	[sflag:s0] =	ssyncadd.s32 @!p0 s1  }
0x6e: {  	[bflag:$0x3] =	sbarrier.arrive $0xFFFF  }
0x6f: {  	_ =	shalt  }

// kernel: kernel.9.cloned.1.call-start
scs
__scs_entry_jumppad:
0x0: {  	(pc) =	sbr.rel $0x88, $3  }
0x1: {  	(tag) =	ssettag $0x0;
	lr =	simm.s32 $0x1  }
0x2: {  	[smem:$0x3F99] =	sst lr;
	_ =	strace $0xD0000000  }
0x3: {  	_ = 	snop  }
0x4: {  	_ = 	snop  }
0x5: {  	_ = 	snop  }
0x6: {  	_ = 	snop  }
0x7: {  	_ = 	snop  }
__scs_overlays_trampoline_lowered:
0x8: {  	[smem:$0x3FA8] =	sst s0  }
0x9: {  	[smem:$0x3FA9] =	sst s1  }
0xa: {  	[smem:$0x3FAA] =	sst s2  }
0xb: {  	[smem:$0x3FAB] =	sst s3  }
0xc: {  	[smem:$0x3FAC] =	sst s4  }
0xd: {  	[smem:$0x3FAD] =	sst s5  }
0xe: {  	[smem:$0x3FAE] =	sst s6  }
0xf: {  	[smem:$0x3FAF] =	sst s7  }
0x10: {  	[smem:$0x3FB0] =	sst s8  }
0x11: {  	[smem:$0x3FB1] =	sst s9;
	s0 =	simm.s32 @!p0 $0x0  }
0x12: {  	s1 =	sld [smem:$0x3F97];
	s0 =	simm.s32 @p0 $0x1  }
0x13: {  	[smem:$0x3FB2] =	sst s0;
	s0 =	simm.s32 @!p1 $0x0  }
0x14: {  	s2 =	sld [smem:$0x3F96];
	s0 =	simm.s32 @p1 $0x1  }
0x15: {  	[smem:$0x3FB3] =	sst s0;
	s0 =	simm.s32 @!p2 $0x0  }
0x16: {  	s3 =	sld [smem:$0x3FDB];
	s0 =	simm.s32 @p2 $0x1  }
0x17: {  	s4 =	simm.s32 $0x1BF5;
	[smem:$0x3FB5] =	sst s0  }
0x18: {  	s0 =	sld [smem:$0x3F98];
	_ =	swait.ge [sflag:s4], $0x0  }
0x19: {  	s7 =	sld [smem:$0x3F99]  }
0x1a: {  	s8 =	sadd.s32 $0xFFFFE003, lr  }
0x1b: {  	s9 =	sadd.s32 $0xFFFFFEF7, lr;
	s5 =	simm.s32 $0xFFFFFFFF;
	p2 =	slt.u32 s8, $0xFFFFF086  }
0x1c: {  	p1 =	slt.u32 s9, $0xF7A;
	s5 =	simm.s32 @!p2 $0x0  }
0x1d: {  	s5 =	simm.s32 @p1 $0x1;
	p0 =	seq.s32 s7, s2  }
0x1e: {  	s7 =	smul.u32 @!p0 $0xF7A, s2;
	p2 =	seq.s32 @!p0 s5, $0x0  }
0x1f: {  	s9 =	smul.u32 $0xF7A, s1;
	s8 =	simm.s32 @!p0 $0x1BF5;
	p2 =	por !p2, p0  }
0x20: {  	[sflag:s8] =	ssyncset.s32 @!p0 $0xFFFFF086;
	s6 =	sadd.s32 @!p0 s3, s7;
	s7 =	simm.s32 @!p0 $0x108  }
0x21: {  	s3 =	sadd.s32 s3, s9;
	s6 =	sadd.s32 @!p0 $0x88, s6;
	s7 =	simm.s32 @p2 $0x1082  }
0x22: {  	[simem:s7], [sflag:s8] =	dma.local @!p0 [hbm:s6], $0xF7A  }
0x23: {  	s9 =	sor.u32 $0xD0000000, s2;
	s6 =	simm.s32 $0x108;
	_ =	swait.ge @!p0 [sflag:s8], $0x0  }
0x24: {  	s3 =	sadd.s32 $0x88, s3;
	s6 =	simm.s32 @!p1 $0x1082;
	[sflag:s4] =	ssyncset.s32 $0xFFFFF086  }
0x25: {  	[simem:s6], [sflag:s4] =	dma.local [hbm:s3], $0xF7A  }
0x26: {  	[smem:$0x3F99] =	sst s1;
	(tag) =	ssettag s2;
	_ =	strace s9  }
0x27: {  	s1 =	sld [smem:$0x3FA9]  }
0x28: {  	s2 =	sld [smem:$0x3FAA]  }
0x29: {  	s4 =	sld [smem:$0x3FAC]  }
0x2a: {  	p0 =	seq.s32 s5, $0x0;
	s5 =	sld [smem:$0x3FAD]  }
0x2b: {  	s6 =	sld [smem:$0x3FAE]  }
0x2c: {  	s7 =	sld [smem:$0x3FAF]  }
0x2d: {  	s3 =	simm.s32 $0x108;
	s8 =	sld [smem:$0x3FB0]  }
0x2e: {  	s3 =	simm.s32 @!p0 $0x1082;
	s9 =	sld [smem:$0x3FB1]  }
0x2f: {  	lr =	sadd.s32 s0, s3;
	s0 =	sld [smem:$0x3FA8]  }
0x30: {  	s3 =	sld [smem:$0x3FAB]  }
0x31: {  	[smem:$0x3FB4] =	sst s10  }
0x32: {  	s10 =	sld [smem:$0x3FB2];
	_ =	sdelay $0x3  }
0x33: {  	p0 =	seq.s32 s10, $0x1;
	s10 =	sld [smem:$0x3FB4];
	_ =	sdelay $0x3  }
0x34: {  	[smem:$0x3FB4] =	sst s10  }
0x35: {  	s10 =	sld [smem:$0x3FB3];
	_ =	sdelay $0x3  }
0x36: {  	p1 =	seq.s32 s10, $0x1;
	s10 =	sld [smem:$0x3FB4];
	_ =	sdelay $0x3  }
0x37: {  	[smem:$0x3FB4] =	sst s10  }
0x38: {  	s10 =	sld [smem:$0x3FB5]  }
0x39: {  	_ = 	snop;
	(pc) =	sbr.ind lr, $3  }
0x3a: {  	_ = 	snop  }
0x3b: {  	_ = 	snop  }
0x3c: {  	p2 =	seq.s32 s10, $0x1;
	s10 =	sld [smem:$0x3FB4]  }
0x3d: {  	_ =	shalt  }
0x3e: {  	_ =	shalt  }
0x3f: {  	_ =	shalt  }
0x40: {  	_ =	shalt  }
0x41: {  	_ =	shalt  }
0x42: {  	_ =	shalt  }
0x43: {  	_ =	shalt  }
0x44: {  	_ =	shalt  }
0x45: {  	_ =	shalt  }
0x46: {  	_ =	shalt  }
0x47: {  	_ =	shalt  }
0x48: {  	_ =	shalt  }
0x49: {  	_ =	shalt  }
0x4a: {  	_ =	shalt  }
0x4b: {  	_ =	shalt  }
0x4c: {  	_ =	shalt  }
0x4d: {  	_ =	shalt  }
0x4e: {  	_ =	shalt  }
0x4f: {  	_ =	shalt  }
0x50: {  	_ =	shalt  }
0x51: {  	_ =	shalt  }
0x52: {  	_ =	shalt  }
0x53: {  	_ =	shalt  }
0x54: {  	_ =	shalt  }
0x55: {  	_ =	shalt  }
0x56: {  	_ =	shalt  }
0x57: {  	_ =	shalt  }
0x58: {  	_ =	shalt  }
0x59: {  	_ =	shalt  }
0x5a: {  	_ =	shalt  }
0x5b: {  	_ =	shalt  }
0x5c: {  	_ =	shalt  }
0x5d: {  	_ =	shalt  }
0x5e: {  	_ =	shalt  }
0x5f: {  	_ =	shalt  }
0x60: {  	_ =	shalt  }
0x61: {  	_ =	shalt  }
0x62: {  	_ =	shalt  }
0x63: {  	_ =	shalt  }
0x64: {  	_ =	shalt  }
0x65: {  	_ =	shalt  }
0x66: {  	_ =	shalt  }
0x67: {  	_ =	shalt  }
0x68: {  	_ =	shalt  }
0x69: {  	_ =	shalt  }
0x6a: {  	_ =	shalt  }
0x6b: {  	_ =	shalt  }
0x6c: {  	_ =	shalt  }
0x6d: {  	_ =	shalt  }
0x6e: {  	_ =	shalt  }
0x6f: {  	_ =	shalt  }
0x70: {  	_ =	shalt  }
0x71: {  	_ =	shalt  }
0x72: {  	_ =	shalt  }
0x73: {  	_ =	shalt  }
0x74: {  	_ =	shalt  }
0x75: {  	_ =	shalt  }
0x76: {  	_ =	shalt  }
0x77: {  	_ =	shalt  }
0x78: {  	_ =	shalt  }
0x79: {  	_ =	shalt  }
0x7a: {  	_ =	shalt  }
0x7b: {  	_ =	shalt  }
0x7c: {  	_ =	shalt  }
0x7d: {  	_ =	shalt  }
0x7e: {  	_ =	shalt  }
0x7f: {  	_ =	shalt  }
0x80: {  	_ =	shalt  }
0x81: {  	_ =	shalt  }
0x82: {  	_ =	shalt  }
0x83: {  	_ =	shalt  }
0x84: {  	_ =	shalt  }
0x85: {  	_ =	shalt  }
0x86: {  	_ =	shalt  }
0x87: {  	_ =	shalt  }
.Lfunc_end0:
.L_simem_size_0:
called_computation.1_lowered:
.L_overlay_start_0:
0x88: {  	s2 =	sld [smem:$0x3FD9]  }
0x89: {  	s3 =	sld [smem:$0x3FFE];
	_ =	sdelay $0x1  }
0x8a: {  	s1 =	srdreg.scid  }
0x8b: {  	s0 =	sand.u32 $0x1, s1  }
0x8c: {  	s17 =	sshll.u32 s0, $0xA;
	s2 =	sadd.s32 s3, s2  }
0x8d: {  	s2 =	sadd.s32 s2, s17  }
0x8e: {  	[smem:$0x3FC0] =	sst s2  }
0x8f: {  	_ = 	snop  }
0x90: {  	s2 =	sld [smem:$0x3FD0];
	(tm) =	ssettm $0x1  }
0x91: {  	s18 =	sld [smem:$0x3FFB];
	_ =	sdelay $0x3  }
0x92: {  	_ =	strace s18  }
0x93: {  	s3 =	sld [smem:$0x3FFC];
	_ =	sdelay $0x3  }
0x94: {  	_ =	strace s3  }
0x95: {  	s3 =	sld [smem:$0x3FFD];
	_ =	sdelay $0x3  }
0x96: {  	_ =	strace s3  }
0x97: {  	_ =	strace $0x8FFFFFFF  }
0x98: {  	s19 =	sld [smem:$0x3FDB];
	_ =	sdelay $0x1  }
0x99: {  	s4 =	simm.s32 $_scs_section_size  }
0x9a: {  	s5 =	simm.s32 $_size__tile_overlayer_lowered;
	s6 =	simm.s32 $_tile_overlayer_lowered  }
0x9b: {  	s22 =	simm.s32 $0x1BFF;
	s21 =	sshll.u32 s6, $0x1;
	s3 =	sadd.s32 s4, s19  }
0x9c: {  	s7 =	simm.s32 $0x0;
	s20 =	sshll.u32 s5, $0x1;
	s5 =	sadd.s32 s21, s3  }
0x9d: {  	[timem:s7], [sflag:s22] =	dma.local [hbm:s5], s20  }
0x9e: {  	_ =	swait.ge [sflag:s22], s20  }
0x9f: {  	s4 =	ssub.s32 $0x0, s20;
	[sflag:s22] =	ssyncset.done $0x0  }
0xa0: {  	[sflag:s22] =	ssyncadd.s32 s4;
	_ =	sdelay $0x1  }
0xa1: {  	s23 =	simm.s32 $0x1B8B  }
0xa2: {  	_ =	swait.ge [sflag:s23], $0x1  }
0xa3: {  	[sflag:s23] =	ssyncset.done $0x0  }
0xa4: {  	s25 =	simm.s32 $0x1B8E;
	s24 =	sld [smem:$0x3FFE];
	[sflag:s23] =	ssyncadd.s32 $0xFFFFFFFF  }
0xa5: {  	s26 =	simm.s32 $execute0_lowered;
	[smem:$0x3FD2] =	sst s25  }
0xa6: {  	s5 =	sshll.u32 s26, $0x1;
	_ =	strace $0x80000049;
	[dreg:$0x1] =	wrdreg $0xFFFFFFFF  }
0xa7: {  	s28 =	simm.s32 $_size_execute0_lowered;
	s3 =	sadd.s32 s3, s5;
	[dreg:$0x0] =	wrdreg $0x0  }
0xa8: {  	s5 =	sshll.u32 s28, $0x1;
	[dreg:$0x2] =	wrdreg s3  }
0xa9: {  	[dreg:$0x3] =	wrdreg s5  }
0xaa: {  	[dreg:$0x4] =	wrdreg $0xC0  }
0xab: {  	_ =	task [dreg:s7], $0x5FFFF  }
0xac: {  	[dreg:$0x1] =	wrdreg $0xFFFFFFFF  }
0xad: {  	[dreg:$0x0] =	wrdreg $0x60  }
0xae: {  	[dreg:$0x2] =	wrdreg s24  }
0xaf: {  	[dreg:$0x3] =	wrdreg s2  }
0xb0: {  	[dreg:$0x4] =	wrdreg $0x41000  }
0xb1: {  	[dreg:$0x5] =	wrdreg $0x9  }
0xb2: {  	_ =	task.clear_ibuf [dreg:s7], $0x6FFFF;
	_ =	strace $0x90000049  }
0xb3: {  	s29 =	simm.s32 $0x9;
	_ =	strace $0x8000004B  }
0xb4: {  	_ =	swait.ge [sflag:s29], $0x1  }
0xb5: {  	[sflag:s29] =	ssyncadd.s32 $0xFFFFFFFF  }
0xb6: {  	_ =	strace $0x9000004B  }
0xb7: {  	_ =	sfence  }
0xb8: {  	s30 =	sld [smem:$0x0];
	_ =	sdelay $0x2  }
0xb9: {  	s31 =	sshll.u32 s1, $0xD;
	s1 =	sshrl.u32 s1, $0x2  }
0xba: {  	s3 =	sand.u32 $0x4000, s31;
	s1 =	sadd.s32 s1, s30  }
0xbb: {  	s0 =	sor.u32 s3, s0;
	s1 =	sshll.u32 s1, $0x11  }
0xbc: {  	s0 =	sor.u32 s1, s0  }
0xbd: {  	s0 =	sadd.s32 $0x8F2B, s0  }
0xbe: {  	[sflag:s0] =	ssyncadd.remote.s32 $0x1  }
0xbf: {  	_ =	sfence.sel $0xFFFF  }
0xc0: {  	[dreg:$0x0] =	wrdreg $0xFFFFFFFF;
	(pc) =	sbr.abs _section_cstart, $3  }
0xc1: {  	[dreg:$0x1] =	wrdreg $0xFFFFFFFF  }
0xc2: {  	_ =	task.clear_ibuf [dreg:s7], $0x2FFFF;
	_ =	strace $0x9FFFFFFF  }
0xc3: {  	(tm) =	ssettm $0x7FFFFFFF  }
tec
execute0_lowered:
.L_overlay_start_1:
0x0: {  	(tag) =	ssettag $0x1  }
0x1: {  	s5 =	rddreg [dreg:$0x0]  }
0x2: {  	s2 =	rddreg [dreg:$0x1]  }
0x3: {  	s3 =	rddreg [dreg:$0x2];
	s1 =	stileid.u32  }
0x4: {  	s7 =	srdreg.scid;
	s6 =	smul.u32 $0x28000, s1  }
0x5: {  	s4 =	simm.s32 $0x0;
	s7 =	sand.u32 $0x1, s7;
	s9 =	smul.u32 $0x2800, s1  }
0x6: {  	[smem:$0x7FF] =	sst s4;
	s8 =	smul.u32 $0x1400, s7  }
0x7: {  	s0 =	rddreg [dreg:$0x3];
	_ =	strace $0x8000004A;
	s30 =	smul.u32 $0x28000, s7  }
0x8: {  	s11 =	ssub.s32 $0x2, s7;
	s7 =	smul.u32 $0x14000, s7;
	s10 =	sadd.s32 s6, s5  }
0x9: {  	s12 =	sshrl.u32 s11, $0x1;
	s29 =	sadd.s32 s8, s9;
	s14 =	sadd.s32 s30, s5  }
0xa: {  	s31 =	ssub.s32 s11, s12;
	s7 =	sadd.s32 s7, s10;
	s10 =	simm.s32 $0x1  }
0xb: {  	s11 =	simm.s32 $0x80;
	s12 =	simm.s32 $0x4080;
	s6 =	sshrl.u32 s29, $0x3  }
0xc: {  	s7 =	sadd.s32 $0xA06600, s7;
	s9 =	sadd.s32 s9, s14;
	s14 =	simm.s32 $0x0  }
0xd: {  	s13 =	sadd.s32 s6, s5;
	s5 =	smul.u32 $0x280, s1;
	s9 =	sadd.s32 $0x786600, s9  }
0xe: {  	v0 =	vlaneseq.u32;
	s6 =	smax.u32 s31, $0x1;
	s8 =	sadd.s32 $0x781600, s13;
	s13 =	simm.s32 $0x4000  }
.LBB2_1:
0xf: {  	[tilespmem:s4], [sflag:$0x1] =	stream.linear.gather [hbm4b:s2+s4], $0x4000, $0x38;
	[tilespmem:$0x18100] =	vst v63  }
0x10: {  	_ =	swait.ge [sflag:s10], $0x4000  }
0x11: {  	s15 =	sadd.s32 $0x0, s5;
	[sflag:s10] =	ssyncset.done $0x0  }
0x12: {  	v1 =	vor.u32 s15, v0;
	s17 =	sadd.s32 $0x60, s15;
	[sflag:s10] =	ssyncadd.s32 $0xFFFFC000  }
0x13: {  	s30 =	sadd.s32 $0x30, s15;
	v2 =	vor.u32 s17, v0;
	[tilespmem:$0x4080] =	vst v1  }
0x14: {  	s16 =	sadd.s32 $0x70, s15;
	v3 =	vor.u32 s30, v0;
	[tilespmem:$0x40E0] =	vst v2  }
0x15: {  	s29 =	sadd.s32 $0x40, s15;
	v1 =	vor.u32 s16, v0;
	[tilespmem:$0x40B0] =	vst v3  }
0x16: {  	s28 =	sadd.s32 $0x50, s15;
	v2 =	vor.u32 s29, v0;
	[tilespmem:$0x40F0] =	vst v1  }
0x17: {  	s31 =	sadd.s32 $0x20, s15;
	v1 =	vor.u32 s28, v0;
	[tilespmem:$0x40C0] =	vst v2  }
0x18: {  	s16 =	sadd.s32 $0x10, s15;
	s15 =	simm.s32 $0x80;
	[tilespmem:$0x40D0] =	vst v1;
	v1 =	vor.u32 s31, v0  }
.LBB2_2:
0x19: {  	p0 =	sne.s32 s15, $0x200;
	v2 =	vor.u32 s16, v0;
	[tilespmem:$0x40A0] =	vst v1  }
0x1a: {  	[tilespmem:$0x4090] =	vst v2;
	[spmem:s3] =	stream.indirect.scatter [tilespmem:s4], [sflag:$0x1], $0x80, s12, s11, $0xb8  }
0x1b: {  	_ =	swait.ge [sflag:s10], $0x4000  }
0x1c: {  	s16 =	sadd.s32 s15, s5;
	[sflag:s10] =	ssyncset.done $0x0  }
0x1d: {  	v1 =	vor.u32 s16, v0;
	s17 =	sadd.s32 $0x70, s16;
	[sflag:s10] =	ssyncadd.s32 $0xFFFFC000  }
0x1e: {  	s18 =	sadd.s32 $0x60, s16;
	[tilespmem:$0x4080] =	vst v1;
	v1 =	vor.u32 s17, v0  }
.Ltmp0:
0x1f: {  	v2 =	vor.u32 s18, v0;
	s17 =	sadd.s32 $0x50, s16;
	[tilespmem:$0x40F0] =	vst v1;
	(pc) =	sbr.rel @p0 .LBB2_2-.Ltmp0, $4  }
0x20: {  	s18 =	sadd.s32 $0x40, s16;
	v1 =	vor.u32 s17, v0;
	[tilespmem:$0x40E0] =	vst v2  }
0x21: {  	s17 =	sadd.s32 $0x30, s16;
	v2 =	vor.u32 s18, v0;
	[tilespmem:$0x40D0] =	vst v1  }
0x22: {  	s18 =	sadd.s32 $0x20, s16;
	v3 =	vor.u32 s17, v0;
	[tilespmem:$0x40C0] =	vst v2  }
0x23: {  	s15 =	sadd.s32 $0x80, s15;
	s16 =	sadd.s32 $0x10, s16;
	v1 =	vor.u32 s18, v0;
	[tilespmem:$0x40B0] =	vst v3  }
0x24: {  	v2 =	vor.u32 s16, v0;
	[tilespmem:$0x40A0] =	vst v1  }
0x25: {  	[tilespmem:$0x4090] =	vst v2  }
0x26: {  	[spmem:s3] =	stream.indirect.scatter [tilespmem:s4], [sflag:$0x1], $0x80, s12, s11, $0xb8;
	[tilespmem:$0x18100] =	vst v63  }
0x27: {  	_ =	swait.ge [sflag:s10], $0x4000  }
0x28: {  	[sflag:s10] =	ssyncset.done $0x0  }
0x29: {  	[sflag:s10] =	ssyncadd.s32 $0xFFFFC000  }
0x2a: {  	[bflag:$0x0] =	sbarrier.arrive $0xFFFF  }
0x2b: {  	[tilespmem:s4], [sflag:$0x1] =	stream.linear.gather [hbm4b:s7+s4], $0x4000, $0x38;
	[tilespmem:$0x18100] =	vst v63  }
0x2c: {  	_ =	swait.ge [sflag:s10], $0x4000  }
0x2d: {  	[sflag:s10] =	ssyncset.done $0x0  }
0x2e: {  	s15 =	sadd.s32 $0x0, s8;
	[sflag:s10] =	ssyncadd.s32 $0xFFFFC000  }
0x2f: {  	[tilespmem:s13], [sflag:$0x1] =	stream.linear.gather [hbm4b:s15+s4], $0x80, $0x38;
	[tilespmem:$0x18100] =	vst v63  }
0x30: {  	_ =	swait.ge [sflag:s10], $0x80  }
0x31: {  	[sflag:s10] =	ssyncset.done $0x0  }
0x32: {  	[sflag:s10] =	ssyncadd.s32 $0xFFFFFF80  }
0x33: {  	[spmem:s3] =	stream.indirect.scatter.add.f32 [tilespmem:s4], [sflag:$0x1], $0x80, s13, s11, $0xb8;
	[tilespmem:$0x18100] =	vst v63  }
0x34: {  	_ =	swait.ge [sflag:s10], $0x4000  }
0x35: {  	s16 =	smov.u32 s7;
	s15 =	simm.s32 $0x10;
	[sflag:s10] =	ssyncset.done $0x0  }
.LBB2_4:
0x36: {  	p0 =	sne.s32 s15, $0x270;
	[sflag:s10] =	ssyncadd.s32 $0xFFFFC000;
	s16 =	sadd.s32 $0x800, s16  }
0x37: {  	[tilespmem:s4], [sflag:$0x1] =	stream.linear.gather [hbm4b:s16+s4], $0x4000, $0x38;
	[tilespmem:$0x18100] =	vst v63  }
0x38: {  	s17 =	smov.u32 s15;
	s15 =	sadd.s32 $0x10, s15;
	_ =	swait.ge [sflag:s10], $0x4000  }
0x39: {  	[sflag:s10] =	ssyncset.done $0x0  }
0x3a: {  	s17 =	sadd.s32 s17, s8;
	[sflag:s10] =	ssyncadd.s32 $0xFFFFC000  }
0x3b: {  	[tilespmem:s13], [sflag:$0x1] =	stream.linear.gather [hbm4b:s17+s4], $0x80, $0x38;
	[tilespmem:$0x18100] =	vst v63  }
0x3c: {  	_ =	swait.ge [sflag:s10], $0x80  }
.Ltmp1:
0x3d: {  	[sflag:s10] =	ssyncset.done $0x0;
	(pc) =	sbr.rel @p0 .LBB2_4-.Ltmp1, $4  }
0x3e: {  	[sflag:s10] =	ssyncadd.s32 $0xFFFFFF80  }
0x3f: {  	[spmem:s3] =	stream.indirect.scatter.add.f32 [tilespmem:s4], [sflag:$0x1], $0x80, s13, s11, $0xb8;
	[tilespmem:$0x18100] =	vst v63  }
0x40: {  	_ =	swait.ge [sflag:s10], $0x4000  }
0x41: {  	[sflag:s10] =	ssyncset.done $0x0  }
0x42: {  	[sflag:s10] =	ssyncadd.s32 $0xFFFFC000;
	s15 =	sadd.s32 $0x0, s5  }
0x43: {  	[bflag:$0x0] =	sbarrier.arrive $0xFFFF;
	v1 =	vor.u32 s15, v0;
	s16 =	sadd.s32 $0x10, s15  }
0x44: {  	s17 =	sadd.s32 $0x20, s15;
	[tilespmem:$0x4080] =	vst v1;
	v1 =	vor.u32 s16, v0  }
0x45: {  	s28 =	sadd.s32 $0x70, s15;
	v2 =	vor.u32 s17, v0;
	[tilespmem:$0x4090] =	vst v1  }
0x46: {  	s30 =	sadd.s32 $0x40, s15;
	v1 =	vor.u32 s28, v0;
	[tilespmem:$0x40A0] =	vst v2  }
0x47: {  	s29 =	sadd.s32 $0x50, s15;
	v2 =	vor.u32 s30, v0;
	[tilespmem:$0x40F0] =	vst v1  }
0x48: {  	s31 =	sadd.s32 $0x60, s15;
	s15 =	sadd.s32 $0x30, s15;
	v1 =	vor.u32 s29, v0;
	[tilespmem:$0x40C0] =	vst v2  }
0x49: {  	v2 =	vor.u32 s15, v0;
	[tilespmem:$0x40D0] =	vst v1  }
0x4a: {  	v1 =	vor.u32 s31, v0;
	[tilespmem:$0x40B0] =	vst v2  }
0x4b: {  	s17 =	smov.u32 s9;
	s16 =	smov.u32 s9;
	s15 =	simm.s32 $0x80;
	[tilespmem:$0x40E0] =	vst v1  }
0x4c: {  	[tilespmem:s4], [sflag:$0x1] =	stream.indirect.gather [spmem:s3], $0x80, s12, s11, $0xb8;
	[tilespmem:$0x18100] =	vst v63  }
.LBB2_6:
0x4d: {  	p0 =	sne.s32 s15, $0x200;
	_ =	swait.ge [sflag:s10], $0x4000;
	s17 =	sadd.s32 $0x800, s17  }
0x4e: {  	s18 =	smov.u32 s15;
	s15 =	sadd.s32 $0x80, s15;
	[sflag:s10] =	ssyncset.done $0x0  }
0x4f: {  	[sflag:s10] =	ssyncadd.s32 $0xFFFFC000  }
0x50: {  	[hbm4b:s16+s4] =	stream.linear.scatter [tilespmem:s4], [sflag:$0x1], $0x4000, $0x38;
	[tilespmem:$0x18100] =	vst v63  }
0x51: {  	s16 =	smov.u32 s17;
	_ =	swait.ge [sflag:s10], $0x4000  }
0x52: {  	s18 =	sadd.s32 s18, s5;
	[sflag:s10] =	ssyncset.done $0x0  }
0x53: {  	v1 =	vor.u32 s18, v0;
	s19 =	sadd.s32 $0x10, s18;
	s20 =	sadd.s32 $0x20, s18;
	[sflag:s10] =	ssyncadd.s32 $0xFFFFC000  }
0x54: {  	s21 =	sadd.s32 $0x70, s18;
	v2 =	vor.u32 s20, v0;
	s20 =	sadd.s32 $0x50, s18;
	[tilespmem:$0x4080] =	vst v1;
	v1 =	vor.u32 s19, v0;
	s19 =	sadd.s32 $0x40, s18  }
0x55: {  	s22 =	sadd.s32 $0x30, s18;
	v4 =	vor.u32 s21, v0;
	v3 =	vor.u32 s20, v0;
	s18 =	sadd.s32 $0x60, s18;
	[tilespmem:$0x4090] =	vst v1;
	v1 =	vor.u32 s19, v0  }
0x56: {  	v5 =	vor.u32 s22, v0;
	v6 =	vor.u32 s18, v0;
	[tilespmem:$0x40F0] =	vst v4  }
0x57: {  	[tilespmem:$0x40A0] =	vst v2  }
.Ltmp2:
0x58: {  	[tilespmem:$0x40D0] =	vst v3;
	(pc) =	sbr.rel @p0 .LBB2_6-.Ltmp2, $4  }
0x59: {  	[tilespmem:$0x40C0] =	vst v1  }
0x5a: {  	[tilespmem:$0x40E0] =	vst v6  }
0x5b: {  	[tilespmem:$0x40B0] =	vst v5  }
0x5c: {  	[tilespmem:s4], [sflag:$0x1] =	stream.indirect.gather [spmem:s3], $0x80, s12, s11, $0xb8;
	[tilespmem:$0x18100] =	vst v63  }
0x5d: {  	_ =	swait.ge [sflag:s10], $0x4000;
	s14 =	sadd.s32 $0x1, s14  }
0x5e: {  	[sflag:s10] =	ssyncset.done $0x0;
	p0 =	sne.s32 s14, s6  }
.Ltmp3:
0x5f: {  	[sflag:s10] =	ssyncadd.s32 $0xFFFFC000;
	(pc) =	sbr.rel @p0 .LBB2_1-.Ltmp3, $4  }
0x60: {  	[hbm4b:s16+s4] =	stream.linear.scatter [tilespmem:s4], [sflag:$0x1], $0x4000, $0x38;
	[tilespmem:$0x18100] =	vst v63  }
0x61: {  	_ =	swait.ge [sflag:s10], $0x4000  }
0x62: {  	[sflag:s10] =	ssyncset.done $0x0  }
0x63: {  	[sflag:s10] =	ssyncadd.s32 $0xFFFFC000  }
0x64: {  	_ =	sfence.sel $0x180000  }
0x65: {  	[bflag:$0x0] =	sbarrier.arrive $0xFFFF  }
0x66: {  	p0 =	sne.s32 s1, $0x0;
	_ =	strace $0x9000004A  }
0x67: {  	s0 =	sadd.s32 @!p0 $0x100000, s0;
	[bflag:$0x2] =	sbarrier.arrive $0xFFFF  }
0x68: {  	[sflag:s0] =	ssyncadd.tile.s32 @!p0 $0x1;
	_ =	shalt  }
.Lfunc_end2:
_tile_overlayer_lowered:
.L_overlay_start_2:
0x69: {  	(tag) =	ssettag $0x2  }
0x6a: {  	s0 =	rddreg [dreg:$0x0];
	s2 =	stileid.u32  }
0x6b: {  	s1 =	rddreg [dreg:$0x1];
	p0 =	sne.s32 s2, $0x0  }
0x6c: {  	s3 =	rddreg [dreg:$0x2];
	[bflag:$0x3] =	sbarrier.arrive $0xFFFF;
	s2 =	simm.s32 @!p0 $0x1C01  }
0x6d: {  	[timem:s3], [sflag:s2] =	dma.local @!p0 [hbm:s0], s1  }
0x6e: {  	s0 =	simm.s32 @!p0 $0x1  }
0x6f: {  	_ =	swait.ge @!p0 [sflag:s0], s1  }
0x70: {  	s1 =	ssub.s32 @!p0 $0x0, s1;
	[sflag:s0] =	ssyncset.done @!p0 $0x0  }
0x71: {  	[sflag:s0] =	ssyncadd.s32 @!p0 s1  }
0x72: {  	[bflag:$0x3] =	sbarrier.arrive $0xFFFF  }
0x73: {  	_ =	shalt  }

</sc_bundles>
